<compile_context>
chip_gen: v7x
topology: tpu7x:2x2x1
jax: 0.10.2.dev20260603
libtpu: 0.0.44.dev20260713+nightly
codegen_flags: <defaults>
</compile_context>

<pallas_src>
import functools

import jax
import jax.numpy as jnp
from jax import lax
from jax.experimental import pallas as pl
from jax.experimental.pallas import tpu as pltpu
from jax.experimental.pallas import tpu_sc as plsc

NUM_ROWS = 8
DIM = 100
DIM_PAD = 128
REAL = 50
SUB = 56

_info = plsc.get_sparse_core_info()
_NC, _NS = _info.num_cores, _info.num_subcores
_NW = _NC * _NS


def _make_sc_gather(B: int, C: int):
    per_w = B // _NW
    n_chunks = per_w // C
    assert n_chunks % 2 == 0 and n_chunks * C == per_w
    mesh = plsc.VectorSubcoreMesh(core_axis_name="c", subcore_axis_name="s")

    nbuf = 4
    assert n_chunks % nbuf == 0

    @functools.partial(
        pl.kernel,
        mesh=mesh,
        out_type=jax.ShapeDtypeStruct((B, DIM_PAD), jnp.float32),
        scratch_types=[
            pltpu.VMEM((per_w,), jnp.int32),
        ] + [pltpu.VMEM((C, DIM_PAD), jnp.float32)] * nbuf
        + [pltpu.SemaphoreType.DMA] * (4 * nbuf),
    )
    def k(idx_hbm, table_hbm, out_hbm, idx_v, *bufs):
        rows = bufs[:nbuf]
        sg = (bufs[nbuf:2 * nbuf], bufs[2 * nbuf:3 * nbuf])
        sw = (bufs[3 * nbuf:4 * nbuf], bufs[4 * nbuf:])
        wid = lax.axis_index("s") * _NC + lax.axis_index("c")
        w0 = wid * per_w

        pltpu.sync_copy(idx_hbm.at[pl.ds(w0, per_w)], idx_v)

        def _gather(g, b, h):
            return pltpu.make_async_copy(
                table_hbm.at[idx_v.at[pl.ds(g * C + h * SUB, REAL)]],
                rows[b].at[pl.ds(h * SUB, REAL)], sg[h][b])

        def gather_start(g, b):
            _gather(g, b, 0).start()
            _gather(g, b, 1).start()

        def gather_wait(g, b):
            _gather(g, b, 0).wait()
            _gather(g, b, 1).wait()

        def wout_start(g, b):
            pltpu.async_copy(
                rows[b], out_hbm.at[pl.ds(w0 + g * C, C)], sw[0][b])

        def wout_wait(g, b):
            pltpu.make_async_copy(
                rows[b], out_hbm.at[pl.ds(w0 + g * C, C)], sw[0][b]).wait()

        for b in range(nbuf):
            gather_start(b, b)

        def body(i, carry):
            for b in range(nbuf):
                g = nbuf * i + b
                gather_wait(g, b)
                wout_start(g, b)
                @pl.when(i < n_chunks // nbuf - 1)
                def _():
                    wout_wait(g, b)
                    gather_start(g + nbuf, b)
            return carry

        lax.fori_loop(0, n_chunks // nbuf, body, 0)
        for b in range(nbuf):
            wout_wait(n_chunks - nbuf + b, b)

    return k


REPLICAS = 1024


def kernel(input, table):
    n_outer, n_inner = input.shape
    idx = jnp.pad(input.astype(jnp.int32),
                  ((0, 0), (0, SUB - n_inner))).reshape(-1)
    table_pad = jnp.pad(table, ((0, 0), (0, DIM_PAD - DIM)))
    table_rep = jnp.broadcast_to(
        table_pad[None], (REPLICAS, NUM_ROWS, DIM_PAD)
    ).reshape(REPLICAS * NUM_ROWS, DIM_PAD)
    idx = idx + NUM_ROWS * (
        jnp.arange(idx.shape[0], dtype=jnp.int32) % REPLICAS)
    out = _make_sc_gather(idx.shape[0], 2 * SUB)(idx, table_rep)
    return out.reshape(n_outer, SUB, DIM_PAD)[:, :n_inner, :DIM]

# --- scband reference (transcript-rebuilt; emitter-appended) ---
"""Pipeline reference for scband-embedding-84748294685409 (READ-ONLY COPY).

The authoritative reference and input builder live on the scoring server;
editing this copy changes nothing except your own understanding.
"""

import jax, jax.numpy as jnp
import numpy as np

NUM_EMBEDDINGS = 8
EMBED_DIM = 100

def setup_inputs(seed: int = 0) -> dict:
    key = jax.random.key(seed)
    k_idx, k_tab = jax.random.split(key)
    input = jax.random.randint(k_idx, (16384, 50), 0, NUM_EMBEDDINGS, dtype=jnp.int32).astype(jnp.int64)
    table = jax.random.normal(k_tab, (NUM_EMBEDDINGS, EMBED_DIM), dtype=jnp.float32)
    return {"input": input, "table": table}

def reference(input, table):
    # nn.Embedding forward: row gather from the embedding table
    return jnp.take(table, input, axis=0)

if __name__ == "__main__":
    import jax
    _d = setup_inputs()
    print(jax.jit(kernel)(*tuple(_d.values())))

</pallas_src>

<mosaic_0001>
#map = affine_map<(d0, d1) -> (0)>
#map1 = affine_map<(d0, d1) -> (0, 0)>
module attributes {stable_mosaic.version = 14 : i64} {
  func.func @k(%arg0: i32, %arg1: i32, %arg2: memref<917504xi32, #tpu.memory_space<hbm>>, %arg3: memref<8192x128xf32, #tpu.memory_space<hbm>>, %arg4: memref<917504x128xf32, #tpu.memory_space<hbm>>, %arg5: memref<28672xi32, #tpu.memory_space<vmem>>, %arg6: memref<112x128xf32, #tpu.memory_space<vmem>>, %arg7: memref<112x128xf32, #tpu.memory_space<vmem>>, %arg8: memref<112x128xf32, #tpu.memory_space<vmem>>, %arg9: memref<112x128xf32, #tpu.memory_space<vmem>>, %arg10: memref<!tpu.dma_semaphore, #tpu.memory_space<semaphore_mem>>, %arg11: memref<!tpu.dma_semaphore, #tpu.memory_space<semaphore_mem>>, %arg12: memref<!tpu.dma_semaphore, #tpu.memory_space<semaphore_mem>>, %arg13: memref<!tpu.dma_semaphore, #tpu.memory_space<semaphore_mem>>, %arg14: memref<!tpu.dma_semaphore, #tpu.memory_space<semaphore_mem>>, %arg15: memref<!tpu.dma_semaphore, #tpu.memory_space<semaphore_mem>>, %arg16: memref<!tpu.dma_semaphore, #tpu.memory_space<semaphore_mem>>, %arg17: memref<!tpu.dma_semaphore, #tpu.memory_space<semaphore_mem>>, %arg18: memref<!tpu.dma_semaphore, #tpu.memory_space<semaphore_mem>>, %arg19: memref<!tpu.dma_semaphore, #tpu.memory_space<semaphore_mem>>, %arg20: memref<!tpu.dma_semaphore, #tpu.memory_space<semaphore_mem>>, %arg21: memref<!tpu.dma_semaphore, #tpu.memory_space<semaphore_mem>>, %arg22: memref<!tpu.dma_semaphore, #tpu.memory_space<semaphore_mem>>, %arg23: memref<!tpu.dma_semaphore, #tpu.memory_space<semaphore_mem>>, %arg24: memref<!tpu.dma_semaphore, #tpu.memory_space<semaphore_mem>>, %arg25: memref<!tpu.dma_semaphore, #tpu.memory_space<semaphore_mem>>) attributes {dimension_semantics = [#tpu.dimension_semantics<core_parallel>, #tpu.dimension_semantics<subcore_parallel>], iteration_bounds = array<i64: 2, 16>, scalar_prefetch = 0 : i64, scratch_operands = 21 : i64, tpu.core_type = #tpu.core_type<sc_vector_subcore>, window_params = [{transform_indices = #map}, {transform_indices = #map1}, {transform_indices = #map1}]} {
    %mul3A = arith.constant 2 : i32
    %mul3A_0 = arith.muli %arg1, %mul3A : i32
    %add3A = arith.addi %mul3A_0, %arg0 : i32
    %mul3A_1 = arith.constant 28672 : i32
    %mul3A_2 = arith.muli %add3A, %mul3A_1 : i32
    "tpu.region"() ({
      %run_scoped3A = tpu.sem_alloc : memref<!tpu.dma_semaphore, #tpu.memory_space<semaphore_mem>>
      %dma_start3A_94 = tpu.memref_slice %arg2[%mul3A_2] : memref<917504xi32, #tpu.memory_space<hbm>> -> memref<28672xi32, #tpu.memory_space<hbm>>
      %dma_start3A_95 = tpu.memref_slice %arg2[%mul3A_2] : memref<917504xi32, #tpu.memory_space<hbm>> -> memref<28672xi32, #tpu.memory_space<hbm>>
      tpu.enqueue_dma source(%dma_start3A_95 : memref<28672xi32, #tpu.memory_space<hbm>>) target(%arg5 : memref<28672xi32, #tpu.memory_space<vmem>>) target_semaphore(%run_scoped3A : memref<!tpu.dma_semaphore, #tpu.memory_space<semaphore_mem>>)
      %dma_wait3A_96 = tpu.memref_slice %arg2[%mul3A_2] : memref<917504xi32, #tpu.memory_space<hbm>> -> memref<28672xi32, #tpu.memory_space<hbm>>
      %dma_wait3A_97 = tpu.memref_slice %arg2[%mul3A_2] : memref<917504xi32, #tpu.memory_space<hbm>> -> memref<28672xi32, #tpu.memory_space<hbm>>
      tpu.wait_dma2 semaphore(%run_scoped3A : memref<!tpu.dma_semaphore, #tpu.memory_space<semaphore_mem>>) src(%dma_wait3A_97 : memref<28672xi32, #tpu.memory_space<hbm>>) dst(%arg5 : memref<28672xi32, #tpu.memory_space<vmem>>)
      tpu.yield
    }) : () -> ()
    %dma_start3A = arith.constant 0 : i32
    %dma_start3A_3 = arith.constant 0 : i32
    %dma_start3A_4 = tpu.memref_slice %arg6[%dma_start3A, %dma_start3A_3] : memref<112x128xf32, #tpu.memory_space<vmem>> -> memref<50x128xf32, #tpu.memory_space<vmem>>
    %dma_start3A_5 = arith.constant 0 : i32
    %dma_start3A_6 = tpu.memref_slice %arg5[%dma_start3A_5] : memref<28672xi32, #tpu.memory_space<vmem>> -> memref<50xi32, #tpu.memory_space<vmem>>
    %dma_start3A_7 = arith.constant 0 : i32
    %dma_start3A_8 = arith.constant 0 : i32
    %dma_start3A_9 = tpu.memref_slice %arg3[%dma_start3A_7, %dma_start3A_8] : memref<8192x128xf32, #tpu.memory_space<hbm>> -> memref<8192x128xf32, #tpu.memory_space<hbm>>
    tpu.enqueue_indirect_dma source(%dma_start3A_9 : memref<8192x128xf32, #tpu.memory_space<hbm>>) target(%dma_start3A_4 : memref<50x128xf32, #tpu.memory_space<vmem>>) offsets(%dma_start3A_6 : memref<50xi32, #tpu.memory_space<vmem>>) semaphore(%arg10 : memref<!tpu.dma_semaphore, #tpu.memory_space<semaphore_mem>>)
    %dma_start3A_10 = arith.constant 56 : i32
    %dma_start3A_11 = arith.constant 0 : i32
    %dma_start3A_12 = tpu.memref_slice %arg6[%dma_start3A_10, %dma_start3A_11] : memref<112x128xf32, #tpu.memory_space<vmem>> -> memref<50x128xf32, #tpu.memory_space<vmem>>
    %dma_start3A_13 = arith.constant 56 : i32
    %dma_start3A_14 = tpu.memref_slice %arg5[%dma_start3A_13] : memref<28672xi32, #tpu.memory_space<vmem>> -> memref<50xi32, #tpu.memory_space<vmem>>
    %dma_start3A_15 = arith.constant 0 : i32
    %dma_start3A_16 = arith.constant 0 : i32
    %dma_start3A_17 = tpu.memref_slice %arg3[%dma_start3A_15, %dma_start3A_16] : memref<8192x128xf32, #tpu.memory_space<hbm>> -> memref<8192x128xf32, #tpu.memory_space<hbm>>
    tpu.enqueue_indirect_dma source(%dma_start3A_17 : memref<8192x128xf32, #tpu.memory_space<hbm>>) target(%dma_start3A_12 : memref<50x128xf32, #tpu.memory_space<vmem>>) offsets(%dma_start3A_14 : memref<50xi32, #tpu.memory_space<vmem>>) semaphore(%arg14 : memref<!tpu.dma_semaphore, #tpu.memory_space<semaphore_mem>>)
    %dma_start3A_18 = arith.constant 0 : i32
    %dma_start3A_19 = arith.constant 0 : i32
    %dma_start3A_20 = tpu.memref_slice %arg7[%dma_start3A_18, %dma_start3A_19] : memref<112x128xf32, #tpu.memory_space<vmem>> -> memref<50x128xf32, #tpu.memory_space<vmem>>
    %dma_start3A_21 = arith.constant 112 : i32
    %dma_start3A_22 = tpu.memref_slice %arg5[%dma_start3A_21] : memref<28672xi32, #tpu.memory_space<vmem>> -> memref<50xi32, #tpu.memory_space<vmem>>
    %dma_start3A_23 = arith.constant 0 : i32
    %dma_start3A_24 = arith.constant 0 : i32
    %dma_start3A_25 = tpu.memref_slice %arg3[%dma_start3A_23, %dma_start3A_24] : memref<8192x128xf32, #tpu.memory_space<hbm>> -> memref<8192x128xf32, #tpu.memory_space<hbm>>
    tpu.enqueue_indirect_dma source(%dma_start3A_25 : memref<8192x128xf32, #tpu.memory_space<hbm>>) target(%dma_start3A_20 : memref<50x128xf32, #tpu.memory_space<vmem>>) offsets(%dma_start3A_22 : memref<50xi32, #tpu.memory_space<vmem>>) semaphore(%arg11 : memref<!tpu.dma_semaphore, #tpu.memory_space<semaphore_mem>>)
    %dma_start3A_26 = arith.constant 56 : i32
    %dma_start3A_27 = arith.constant 0 : i32
    %dma_start3A_28 = tpu.memref_slice %arg7[%dma_start3A_26, %dma_start3A_27] : memref<112x128xf32, #tpu.memory_space<vmem>> -> memref<50x128xf32, #tpu.memory_space<vmem>>
    %dma_start3A_29 = arith.constant 168 : i32
    %dma_start3A_30 = tpu.memref_slice %arg5[%dma_start3A_29] : memref<28672xi32, #tpu.memory_space<vmem>> -> memref<50xi32, #tpu.memory_space<vmem>>
    %dma_start3A_31 = arith.constant 0 : i32
    %dma_start3A_32 = arith.constant 0 : i32
    %dma_start3A_33 = tpu.memref_slice %arg3[%dma_start3A_31, %dma_start3A_32] : memref<8192x128xf32, #tpu.memory_space<hbm>> -> memref<8192x128xf32, #tpu.memory_space<hbm>>
    tpu.enqueue_indirect_dma source(%dma_start3A_33 : memref<8192x128xf32, #tpu.memory_space<hbm>>) target(%dma_start3A_28 : memref<50x128xf32, #tpu.memory_space<vmem>>) offsets(%dma_start3A_30 : memref<50xi32, #tpu.memory_space<vmem>>) semaphore(%arg15 : memref<!tpu.dma_semaphore, #tpu.memory_space<semaphore_mem>>)
    %dma_start3A_34 = arith.constant 0 : i32
    %dma_start3A_35 = arith.constant 0 : i32
    %dma_start3A_36 = tpu.memref_slice %arg8[%dma_start3A_34, %dma_start3A_35] : memref<112x128xf32, #tpu.memory_space<vmem>> -> memref<50x128xf32, #tpu.memory_space<vmem>>
    %dma_start3A_37 = arith.constant 224 : i32
    %dma_start3A_38 = tpu.memref_slice %arg5[%dma_start3A_37] : memref<28672xi32, #tpu.memory_space<vmem>> -> memref<50xi32, #tpu.memory_space<vmem>>
    %dma_start3A_39 = arith.constant 0 : i32
    %dma_start3A_40 = arith.constant 0 : i32
    %dma_start3A_41 = tpu.memref_slice %arg3[%dma_start3A_39, %dma_start3A_40] : memref<8192x128xf32, #tpu.memory_space<hbm>> -> memref<8192x128xf32, #tpu.memory_space<hbm>>
    tpu.enqueue_indirect_dma source(%dma_start3A_41 : memref<8192x128xf32, #tpu.memory_space<hbm>>) target(%dma_start3A_36 : memref<50x128xf32, #tpu.memory_space<vmem>>) offsets(%dma_start3A_38 : memref<50xi32, #tpu.memory_space<vmem>>) semaphore(%arg12 : memref<!tpu.dma_semaphore, #tpu.memory_space<semaphore_mem>>)
    %dma_start3A_42 = arith.constant 56 : i32
    %dma_start3A_43 = arith.constant 0 : i32
    %dma_start3A_44 = tpu.memref_slice %arg8[%dma_start3A_42, %dma_start3A_43] : memref<112x128xf32, #tpu.memory_space<vmem>> -> memref<50x128xf32, #tpu.memory_space<vmem>>
    %dma_start3A_45 = arith.constant 280 : i32
    %dma_start3A_46 = tpu.memref_slice %arg5[%dma_start3A_45] : memref<28672xi32, #tpu.memory_space<vmem>> -> memref<50xi32, #tpu.memory_space<vmem>>
    %dma_start3A_47 = arith.constant 0 : i32
    %dma_start3A_48 = arith.constant 0 : i32
    %dma_start3A_49 = tpu.memref_slice %arg3[%dma_start3A_47, %dma_start3A_48] : memref<8192x128xf32, #tpu.memory_space<hbm>> -> memref<8192x128xf32, #tpu.memory_space<hbm>>
    tpu.enqueue_indirect_dma source(%dma_start3A_49 : memref<8192x128xf32, #tpu.memory_space<hbm>>) target(%dma_start3A_44 : memref<50x128xf32, #tpu.memory_space<vmem>>) offsets(%dma_start3A_46 : memref<50xi32, #tpu.memory_space<vmem>>) semaphore(%arg16 : memref<!tpu.dma_semaphore, #tpu.memory_space<semaphore_mem>>)
    %dma_start3A_50 = arith.constant 0 : i32
    %dma_start3A_51 = arith.constant 0 : i32
    %dma_start3A_52 = tpu.memref_slice %arg9[%dma_start3A_50, %dma_start3A_51] : memref<112x128xf32, #tpu.memory_space<vmem>> -> memref<50x128xf32, #tpu.memory_space<vmem>>
    %dma_start3A_53 = arith.constant 336 : i32
    %dma_start3A_54 = tpu.memref_slice %arg5[%dma_start3A_53] : memref<28672xi32, #tpu.memory_space<vmem>> -> memref<50xi32, #tpu.memory_space<vmem>>
    %dma_start3A_55 = arith.constant 0 : i32
    %dma_start3A_56 = arith.constant 0 : i32
    %dma_start3A_57 = tpu.memref_slice %arg3[%dma_start3A_55, %dma_start3A_56] : memref<8192x128xf32, #tpu.memory_space<hbm>> -> memref<8192x128xf32, #tpu.memory_space<hbm>>
    tpu.enqueue_indirect_dma source(%dma_start3A_57 : memref<8192x128xf32, #tpu.memory_space<hbm>>) target(%dma_start3A_52 : memref<50x128xf32, #tpu.memory_space<vmem>>) offsets(%dma_start3A_54 : memref<50xi32, #tpu.memory_space<vmem>>) semaphore(%arg13 : memref<!tpu.dma_semaphore, #tpu.memory_space<semaphore_mem>>)
    %dma_start3A_58 = arith.constant 56 : i32
    %dma_start3A_59 = arith.constant 0 : i32
    %dma_start3A_60 = tpu.memref_slice %arg9[%dma_start3A_58, %dma_start3A_59] : memref<112x128xf32, #tpu.memory_space<vmem>> -> memref<50x128xf32, #tpu.memory_space<vmem>>
    %dma_start3A_61 = arith.constant 392 : i32
    %dma_start3A_62 = tpu.memref_slice %arg5[%dma_start3A_61] : memref<28672xi32, #tpu.memory_space<vmem>> -> memref<50xi32, #tpu.memory_space<vmem>>
    %dma_start3A_63 = arith.constant 0 : i32
    %dma_start3A_64 = arith.constant 0 : i32
    %dma_start3A_65 = tpu.memref_slice %arg3[%dma_start3A_63, %dma_start3A_64] : memref<8192x128xf32, #tpu.memory_space<hbm>> -> memref<8192x128xf32, #tpu.memory_space<hbm>>
    tpu.enqueue_indirect_dma source(%dma_start3A_65 : memref<8192x128xf32, #tpu.memory_space<hbm>>) target(%dma_start3A_60 : memref<50x128xf32, #tpu.memory_space<vmem>>) offsets(%dma_start3A_62 : memref<50xi32, #tpu.memory_space<vmem>>) semaphore(%arg17 : memref<!tpu.dma_semaphore, #tpu.memory_space<semaphore_mem>>)
    %scan3A = arith.constant 0 : i32
    %scan3A_66 = arith.constant 0 : i32
    %scan3A_67 = arith.constant 64 : i32
    %scan3A_68 = arith.addi %scan3A_66, %scan3A_67 : i32
    %scan3A_69 = arith.constant 1 : i32
    scf.for %scan3A_94 = %scan3A_66 to %scan3A_68 step %scan3A_69  : i32 {
      %mul3A_95 = arith.constant 4 : i32
      %mul3A_96 = arith.muli %mul3A_95, %scan3A_94 : i32
      %add3A_97 = arith.constant 0 : i32
      %add3A_98 = arith.addi %mul3A_96, %add3A_97 : i32
      %mul3A_99 = arith.constant 112 : i32
      %mul3A_100 = arith.muli %add3A_98, %mul3A_99 : i32
      %add3A_101 = arith.constant 0 : i32
      %add3A_102 = arith.addi %mul3A_100, %add3A_101 : i32
      %dma_wait3A_103 = arith.constant 0 : i32
      %dma_wait3A_104 = arith.constant 0 : i32
      %dma_wait3A_105 = tpu.memref_slice %arg6[%dma_wait3A_103, %dma_wait3A_104] : memref<112x128xf32, #tpu.memory_space<vmem>> -> memref<50x128xf32, #tpu.memory_space<vmem>>
      %dma_wait3A_106 = tpu.memref_slice %arg5[%add3A_102] : memref<28672xi32, #tpu.memory_space<vmem>> -> memref<50xi32, #tpu.memory_space<vmem>>
      %dma_wait3A_107 = arith.constant 0 : i32
      %dma_wait3A_108 = arith.constant 0 : i32
      %dma_wait3A_109 = tpu.memref_slice %arg3[%dma_wait3A_107, %dma_wait3A_108] : memref<8192x128xf32, #tpu.memory_space<hbm>> -> memref<8192x128xf32, #tpu.memory_space<hbm>>
      tpu.wait_indirect_dma semaphore(%arg10 : memref<!tpu.dma_semaphore, #tpu.memory_space<semaphore_mem>>) src(%dma_wait3A_109 : memref<8192x128xf32, #tpu.memory_space<hbm>>) dst(%dma_wait3A_105 : memref<50x128xf32, #tpu.memory_space<vmem>>)
      %mul3A_110 = arith.constant 112 : i32
      %mul3A_111 = arith.muli %add3A_98, %mul3A_110 : i32
      %add3A_112 = arith.constant 56 : i32
      %add3A_113 = arith.addi %mul3A_111, %add3A_112 : i32
      %dma_wait3A_114 = arith.constant 56 : i32
      %dma_wait3A_115 = arith.constant 0 : i32
      %dma_wait3A_116 = tpu.memref_slice %arg6[%dma_wait3A_114, %dma_wait3A_115] : memref<112x128xf32, #tpu.memory_space<vmem>> -> memref<50x128xf32, #tpu.memory_space<vmem>>
      %dma_wait3A_117 = tpu.memref_slice %arg5[%add3A_113] : memref<28672xi32, #tpu.memory_space<vmem>> -> memref<50xi32, #tpu.memory_space<vmem>>
      %dma_wait3A_118 = arith.constant 0 : i32
      %dma_wait3A_119 = arith.constant 0 : i32
      %dma_wait3A_120 = tpu.memref_slice %arg3[%dma_wait3A_118, %dma_wait3A_119] : memref<8192x128xf32, #tpu.memory_space<hbm>> -> memref<8192x128xf32, #tpu.memory_space<hbm>>
      tpu.wait_indirect_dma semaphore(%arg14 : memref<!tpu.dma_semaphore, #tpu.memory_space<semaphore_mem>>) src(%dma_wait3A_120 : memref<8192x128xf32, #tpu.memory_space<hbm>>) dst(%dma_wait3A_116 : memref<50x128xf32, #tpu.memory_space<vmem>>)
      %mul3A_121 = arith.constant 112 : i32
      %mul3A_122 = arith.muli %add3A_98, %mul3A_121 : i32
      %add3A_123 = arith.addi %mul3A_2, %mul3A_122 : i32
      %dma_start3A_124 = arith.constant 0 : i32
      %dma_start3A_125 = tpu.memref_slice %arg4[%add3A_123, %dma_start3A_124] : memref<917504x128xf32, #tpu.memory_space<hbm>> -> memref<112x128xf32, #tpu.memory_space<hbm>>
      %dma_start3A_126 = arith.constant 0 : i32
      %dma_start3A_127 = tpu.memref_slice %arg4[%add3A_123, %dma_start3A_126] : memref<917504x128xf32, #tpu.memory_space<hbm>> -> memref<112x128xf32, #tpu.memory_space<hbm>>
      tpu.enqueue_dma source(%arg6 : memref<112x128xf32, #tpu.memory_space<vmem>>) target(%dma_start3A_127 : memref<112x128xf32, #tpu.memory_space<hbm>>) target_semaphore(%arg18 : memref<!tpu.dma_semaphore, #tpu.memory_space<semaphore_mem>>)
      %lt3A = arith.constant 63 : i32
      %lt3A_128 = arith.cmpi slt, %scan3A_94, %lt3A : i32
      %convert_element_type3A = arith.extui %lt3A_128 : i1 to i32
      %cond3A = arith.constant 0 : i32
      %cond3A_129 = arith.cmpi ne, %convert_element_type3A, %cond3A : i32
      scf.if %cond3A_129 {
        %mul3A_244 = arith.constant 112 : i32
        %mul3A_245 = arith.muli %add3A_98, %mul3A_244 : i32
        %add3A_246 = arith.addi %mul3A_2, %mul3A_245 : i32
        %dma_wait3A_247 = arith.constant 0 : i32
        %dma_wait3A_248 = tpu.memref_slice %arg4[%add3A_246, %dma_wait3A_247] : memref<917504x128xf32, #tpu.memory_space<hbm>> -> memref<112x128xf32, #tpu.memory_space<hbm>>
        %dma_wait3A_249 = arith.constant 0 : i32
        %dma_wait3A_250 = tpu.memref_slice %arg4[%add3A_246, %dma_wait3A_249] : memref<917504x128xf32, #tpu.memory_space<hbm>> -> memref<112x128xf32, #tpu.memory_space<hbm>>
        tpu.wait_dma2 semaphore(%arg18 : memref<!tpu.dma_semaphore, #tpu.memory_space<semaphore_mem>>) src(%arg6 : memref<112x128xf32, #tpu.memory_space<vmem>>) dst(%dma_wait3A_250 : memref<112x128xf32, #tpu.memory_space<hbm>>)
        %add3A_251 = arith.constant 4 : i32
        %add3A_252 = arith.addi %add3A_98, %add3A_251 : i32
        %mul3A_253 = arith.constant 112 : i32
        %mul3A_254 = arith.muli %add3A_252, %mul3A_253 : i32
        %add3A_255 = arith.constant 0 : i32
        %add3A_256 = arith.addi %mul3A_254, %add3A_255 : i32
        %dma_start3A_257 = arith.constant 0 : i32
        %dma_start3A_258 = arith.constant 0 : i32
        %dma_start3A_259 = tpu.memref_slice %arg6[%dma_start3A_257, %dma_start3A_258] : memref<112x128xf32, #tpu.memory_space<vmem>> -> memref<50x128xf32, #tpu.memory_space<vmem>>
        %dma_start3A_260 = tpu.memref_slice %arg5[%add3A_256] : memref<28672xi32, #tpu.memory_space<vmem>> -> memref<50xi32, #tpu.memory_space<vmem>>
        %dma_start3A_261 = arith.constant 0 : i32
        %dma_start3A_262 = arith.constant 0 : i32
        %dma_start3A_263 = tpu.memref_slice %arg3[%dma_start3A_261, %dma_start3A_262] : memref<8192x128xf32, #tpu.memory_space<hbm>> -> memref<8192x128xf32, #tpu.memory_space<hbm>>
        tpu.enqueue_indirect_dma source(%dma_start3A_263 : memref<8192x128xf32, #tpu.memory_space<hbm>>) target(%dma_start3A_259 : memref<50x128xf32, #tpu.memory_space<vmem>>) offsets(%dma_start3A_260 : memref<50xi32, #tpu.memory_space<vmem>>) semaphore(%arg10 : memref<!tpu.dma_semaphore, #tpu.memory_space<semaphore_mem>>)
        %mul3A_264 = arith.constant 112 : i32
        %mul3A_265 = arith.muli %add3A_252, %mul3A_264 : i32
        %add3A_266 = arith.constant 56 : i32
        %add3A_267 = arith.addi %mul3A_265, %add3A_266 : i32
        %dma_start3A_268 = arith.constant 56 : i32
        %dma_start3A_269 = arith.constant 0 : i32
        %dma_start3A_270 = tpu.memref_slice %arg6[%dma_start3A_268, %dma_start3A_269] : memref<112x128xf32, #tpu.memory_space<vmem>> -> memref<50x128xf32, #tpu.memory_space<vmem>>
        %dma_start3A_271 = tpu.memref_slice %arg5[%add3A_267] : memref<28672xi32, #tpu.memory_space<vmem>> -> memref<50xi32, #tpu.memory_space<vmem>>
        %dma_start3A_272 = arith.constant 0 : i32
        %dma_start3A_273 = arith.constant 0 : i32
        %dma_start3A_274 = tpu.memref_slice %arg3[%dma_start3A_272, %dma_start3A_273] : memref<8192x128xf32, #tpu.memory_space<hbm>> -> memref<8192x128xf32, #tpu.memory_space<hbm>>
        tpu.enqueue_indirect_dma source(%dma_start3A_274 : memref<8192x128xf32, #tpu.memory_space<hbm>>) target(%dma_start3A_270 : memref<50x128xf32, #tpu.memory_space<vmem>>) offsets(%dma_start3A_271 : memref<50xi32, #tpu.memory_space<vmem>>) semaphore(%arg14 : memref<!tpu.dma_semaphore, #tpu.memory_space<semaphore_mem>>)
      } else {
      }
      %mul3A_130 = arith.constant 4 : i32
      %mul3A_131 = arith.muli %mul3A_130, %scan3A_94 : i32
      %add3A_132 = arith.constant 1 : i32
      %add3A_133 = arith.addi %mul3A_131, %add3A_132 : i32
      %mul3A_134 = arith.constant 112 : i32
      %mul3A_135 = arith.muli %add3A_133, %mul3A_134 : i32
      %add3A_136 = arith.constant 0 : i32
      %add3A_137 = arith.addi %mul3A_135, %add3A_136 : i32
      %dma_wait3A_138 = arith.constant 0 : i32
      %dma_wait3A_139 = arith.constant 0 : i32
      %dma_wait3A_140 = tpu.memref_slice %arg7[%dma_wait3A_138, %dma_wait3A_139] : memref<112x128xf32, #tpu.memory_space<vmem>> -> memref<50x128xf32, #tpu.memory_space<vmem>>
      %dma_wait3A_141 = tpu.memref_slice %arg5[%add3A_137] : memref<28672xi32, #tpu.memory_space<vmem>> -> memref<50xi32, #tpu.memory_space<vmem>>
      %dma_wait3A_142 = arith.constant 0 : i32
      %dma_wait3A_143 = arith.constant 0 : i32
      %dma_wait3A_144 = tpu.memref_slice %arg3[%dma_wait3A_142, %dma_wait3A_143] : memref<8192x128xf32, #tpu.memory_space<hbm>> -> memref<8192x128xf32, #tpu.memory_space<hbm>>
      tpu.wait_indirect_dma semaphore(%arg11 : memref<!tpu.dma_semaphore, #tpu.memory_space<semaphore_mem>>) src(%dma_wait3A_144 : memref<8192x128xf32, #tpu.memory_space<hbm>>) dst(%dma_wait3A_140 : memref<50x128xf32, #tpu.memory_space<vmem>>)
      %mul3A_145 = arith.constant 112 : i32
      %mul3A_146 = arith.muli %add3A_133, %mul3A_145 : i32
      %add3A_147 = arith.constant 56 : i32
      %add3A_148 = arith.addi %mul3A_146, %add3A_147 : i32
      %dma_wait3A_149 = arith.constant 56 : i32
      %dma_wait3A_150 = arith.constant 0 : i32
      %dma_wait3A_151 = tpu.memref_slice %arg7[%dma_wait3A_149, %dma_wait3A_150] : memref<112x128xf32, #tpu.memory_space<vmem>> -> memref<50x128xf32, #tpu.memory_space<vmem>>
      %dma_wait3A_152 = tpu.memref_slice %arg5[%add3A_148] : memref<28672xi32, #tpu.memory_space<vmem>> -> memref<50xi32, #tpu.memory_space<vmem>>
      %dma_wait3A_153 = arith.constant 0 : i32
      %dma_wait3A_154 = arith.constant 0 : i32
      %dma_wait3A_155 = tpu.memref_slice %arg3[%dma_wait3A_153, %dma_wait3A_154] : memref<8192x128xf32, #tpu.memory_space<hbm>> -> memref<8192x128xf32, #tpu.memory_space<hbm>>
      tpu.wait_indirect_dma semaphore(%arg15 : memref<!tpu.dma_semaphore, #tpu.memory_space<semaphore_mem>>) src(%dma_wait3A_155 : memref<8192x128xf32, #tpu.memory_space<hbm>>) dst(%dma_wait3A_151 : memref<50x128xf32, #tpu.memory_space<vmem>>)
      %mul3A_156 = arith.constant 112 : i32
      %mul3A_157 = arith.muli %add3A_133, %mul3A_156 : i32
      %add3A_158 = arith.addi %mul3A_2, %mul3A_157 : i32
      %dma_start3A_159 = arith.constant 0 : i32
      %dma_start3A_160 = tpu.memref_slice %arg4[%add3A_158, %dma_start3A_159] : memref<917504x128xf32, #tpu.memory_space<hbm>> -> memref<112x128xf32, #tpu.memory_space<hbm>>
      %dma_start3A_161 = arith.constant 0 : i32
      %dma_start3A_162 = tpu.memref_slice %arg4[%add3A_158, %dma_start3A_161] : memref<917504x128xf32, #tpu.memory_space<hbm>> -> memref<112x128xf32, #tpu.memory_space<hbm>>
      tpu.enqueue_dma source(%arg7 : memref<112x128xf32, #tpu.memory_space<vmem>>) target(%dma_start3A_162 : memref<112x128xf32, #tpu.memory_space<hbm>>) target_semaphore(%arg19 : memref<!tpu.dma_semaphore, #tpu.memory_space<semaphore_mem>>)
      %lt3A_163 = arith.constant 63 : i32
      %lt3A_164 = arith.cmpi slt, %scan3A_94, %lt3A_163 : i32
      %convert_element_type3A_165 = arith.extui %lt3A_164 : i1 to i32
      %cond3A_166 = arith.constant 0 : i32
      %cond3A_167 = arith.cmpi ne, %convert_element_type3A_165, %cond3A_166 : i32
      scf.if %cond3A_167 {
        %mul3A_244 = arith.constant 112 : i32
        %mul3A_245 = arith.muli %add3A_133, %mul3A_244 : i32
        %add3A_246 = arith.addi %mul3A_2, %mul3A_245 : i32
        %dma_wait3A_247 = arith.constant 0 : i32
        %dma_wait3A_248 = tpu.memref_slice %arg4[%add3A_246, %dma_wait3A_247] : memref<917504x128xf32, #tpu.memory_space<hbm>> -> memref<112x128xf32, #tpu.memory_space<hbm>>
        %dma_wait3A_249 = arith.constant 0 : i32
        %dma_wait3A_250 = tpu.memref_slice %arg4[%add3A_246, %dma_wait3A_249] : memref<917504x128xf32, #tpu.memory_space<hbm>> -> memref<112x128xf32, #tpu.memory_space<hbm>>
        tpu.wait_dma2 semaphore(%arg19 : memref<!tpu.dma_semaphore, #tpu.memory_space<semaphore_mem>>) src(%arg7 : memref<112x128xf32, #tpu.memory_space<vmem>>) dst(%dma_wait3A_250 : memref<112x128xf32, #tpu.memory_space<hbm>>)
        %add3A_251 = arith.constant 4 : i32
        %add3A_252 = arith.addi %add3A_133, %add3A_251 : i32
        %mul3A_253 = arith.constant 112 : i32
        %mul3A_254 = arith.muli %add3A_252, %mul3A_253 : i32
        %add3A_255 = arith.constant 0 : i32
        %add3A_256 = arith.addi %mul3A_254, %add3A_255 : i32
        %dma_start3A_257 = arith.constant 0 : i32
        %dma_start3A_258 = arith.constant 0 : i32
        %dma_start3A_259 = tpu.memref_slice %arg7[%dma_start3A_257, %dma_start3A_258] : memref<112x128xf32, #tpu.memory_space<vmem>> -> memref<50x128xf32, #tpu.memory_space<vmem>>
        %dma_start3A_260 = tpu.memref_slice %arg5[%add3A_256] : memref<28672xi32, #tpu.memory_space<vmem>> -> memref<50xi32, #tpu.memory_space<vmem>>
        %dma_start3A_261 = arith.constant 0 : i32
        %dma_start3A_262 = arith.constant 0 : i32
        %dma_start3A_263 = tpu.memref_slice %arg3[%dma_start3A_261, %dma_start3A_262] : memref<8192x128xf32, #tpu.memory_space<hbm>> -> memref<8192x128xf32, #tpu.memory_space<hbm>>
        tpu.enqueue_indirect_dma source(%dma_start3A_263 : memref<8192x128xf32, #tpu.memory_space<hbm>>) target(%dma_start3A_259 : memref<50x128xf32, #tpu.memory_space<vmem>>) offsets(%dma_start3A_260 : memref<50xi32, #tpu.memory_space<vmem>>) semaphore(%arg11 : memref<!tpu.dma_semaphore, #tpu.memory_space<semaphore_mem>>)
        %mul3A_264 = arith.constant 112 : i32
        %mul3A_265 = arith.muli %add3A_252, %mul3A_264 : i32
        %add3A_266 = arith.constant 56 : i32
        %add3A_267 = arith.addi %mul3A_265, %add3A_266 : i32
        %dma_start3A_268 = arith.constant 56 : i32
        %dma_start3A_269 = arith.constant 0 : i32
        %dma_start3A_270 = tpu.memref_slice %arg7[%dma_start3A_268, %dma_start3A_269] : memref<112x128xf32, #tpu.memory_space<vmem>> -> memref<50x128xf32, #tpu.memory_space<vmem>>
        %dma_start3A_271 = tpu.memref_slice %arg5[%add3A_267] : memref<28672xi32, #tpu.memory_space<vmem>> -> memref<50xi32, #tpu.memory_space<vmem>>
        %dma_start3A_272 = arith.constant 0 : i32
        %dma_start3A_273 = arith.constant 0 : i32
        %dma_start3A_274 = tpu.memref_slice %arg3[%dma_start3A_272, %dma_start3A_273] : memref<8192x128xf32, #tpu.memory_space<hbm>> -> memref<8192x128xf32, #tpu.memory_space<hbm>>
        tpu.enqueue_indirect_dma source(%dma_start3A_274 : memref<8192x128xf32, #tpu.memory_space<hbm>>) target(%dma_start3A_270 : memref<50x128xf32, #tpu.memory_space<vmem>>) offsets(%dma_start3A_271 : memref<50xi32, #tpu.memory_space<vmem>>) semaphore(%arg15 : memref<!tpu.dma_semaphore, #tpu.memory_space<semaphore_mem>>)
      } else {
      }
      %mul3A_168 = arith.constant 4 : i32
      %mul3A_169 = arith.muli %mul3A_168, %scan3A_94 : i32
      %add3A_170 = arith.constant 2 : i32
      %add3A_171 = arith.addi %mul3A_169, %add3A_170 : i32
      %mul3A_172 = arith.constant 112 : i32
      %mul3A_173 = arith.muli %add3A_171, %mul3A_172 : i32
      %add3A_174 = arith.constant 0 : i32
      %add3A_175 = arith.addi %mul3A_173, %add3A_174 : i32
      %dma_wait3A_176 = arith.constant 0 : i32
      %dma_wait3A_177 = arith.constant 0 : i32
      %dma_wait3A_178 = tpu.memref_slice %arg8[%dma_wait3A_176, %dma_wait3A_177] : memref<112x128xf32, #tpu.memory_space<vmem>> -> memref<50x128xf32, #tpu.memory_space<vmem>>
      %dma_wait3A_179 = tpu.memref_slice %arg5[%add3A_175] : memref<28672xi32, #tpu.memory_space<vmem>> -> memref<50xi32, #tpu.memory_space<vmem>>
      %dma_wait3A_180 = arith.constant 0 : i32
      %dma_wait3A_181 = arith.constant 0 : i32
      %dma_wait3A_182 = tpu.memref_slice %arg3[%dma_wait3A_180, %dma_wait3A_181] : memref<8192x128xf32, #tpu.memory_space<hbm>> -> memref<8192x128xf32, #tpu.memory_space<hbm>>
      tpu.wait_indirect_dma semaphore(%arg12 : memref<!tpu.dma_semaphore, #tpu.memory_space<semaphore_mem>>) src(%dma_wait3A_182 : memref<8192x128xf32, #tpu.memory_space<hbm>>) dst(%dma_wait3A_178 : memref<50x128xf32, #tpu.memory_space<vmem>>)
      %mul3A_183 = arith.constant 112 : i32
      %mul3A_184 = arith.muli %add3A_171, %mul3A_183 : i32
      %add3A_185 = arith.constant 56 : i32
      %add3A_186 = arith.addi %mul3A_184, %add3A_185 : i32
      %dma_wait3A_187 = arith.constant 56 : i32
      %dma_wait3A_188 = arith.constant 0 : i32
      %dma_wait3A_189 = tpu.memref_slice %arg8[%dma_wait3A_187, %dma_wait3A_188] : memref<112x128xf32, #tpu.memory_space<vmem>> -> memref<50x128xf32, #tpu.memory_space<vmem>>
      %dma_wait3A_190 = tpu.memref_slice %arg5[%add3A_186] : memref<28672xi32, #tpu.memory_space<vmem>> -> memref<50xi32, #tpu.memory_space<vmem>>
      %dma_wait3A_191 = arith.constant 0 : i32
      %dma_wait3A_192 = arith.constant 0 : i32
      %dma_wait3A_193 = tpu.memref_slice %arg3[%dma_wait3A_191, %dma_wait3A_192] : memref<8192x128xf32, #tpu.memory_space<hbm>> -> memref<8192x128xf32, #tpu.memory_space<hbm>>
      tpu.wait_indirect_dma semaphore(%arg16 : memref<!tpu.dma_semaphore, #tpu.memory_space<semaphore_mem>>) src(%dma_wait3A_193 : memref<8192x128xf32, #tpu.memory_space<hbm>>) dst(%dma_wait3A_189 : memref<50x128xf32, #tpu.memory_space<vmem>>)
      %mul3A_194 = arith.constant 112 : i32
      %mul3A_195 = arith.muli %add3A_171, %mul3A_194 : i32
      %add3A_196 = arith.addi %mul3A_2, %mul3A_195 : i32
      %dma_start3A_197 = arith.constant 0 : i32
      %dma_start3A_198 = tpu.memref_slice %arg4[%add3A_196, %dma_start3A_197] : memref<917504x128xf32, #tpu.memory_space<hbm>> -> memref<112x128xf32, #tpu.memory_space<hbm>>
      %dma_start3A_199 = arith.constant 0 : i32
      %dma_start3A_200 = tpu.memref_slice %arg4[%add3A_196, %dma_start3A_199] : memref<917504x128xf32, #tpu.memory_space<hbm>> -> memref<112x128xf32, #tpu.memory_space<hbm>>
      tpu.enqueue_dma source(%arg8 : memref<112x128xf32, #tpu.memory_space<vmem>>) target(%dma_start3A_200 : memref<112x128xf32, #tpu.memory_space<hbm>>) target_semaphore(%arg20 : memref<!tpu.dma_semaphore, #tpu.memory_space<semaphore_mem>>)
      %lt3A_201 = arith.constant 63 : i32
      %lt3A_202 = arith.cmpi slt, %scan3A_94, %lt3A_201 : i32
      %convert_element_type3A_203 = arith.extui %lt3A_202 : i1 to i32
      %cond3A_204 = arith.constant 0 : i32
      %cond3A_205 = arith.cmpi ne, %convert_element_type3A_203, %cond3A_204 : i32
      scf.if %cond3A_205 {
        %mul3A_244 = arith.constant 112 : i32
        %mul3A_245 = arith.muli %add3A_171, %mul3A_244 : i32
        %add3A_246 = arith.addi %mul3A_2, %mul3A_245 : i32
        %dma_wait3A_247 = arith.constant 0 : i32
        %dma_wait3A_248 = tpu.memref_slice %arg4[%add3A_246, %dma_wait3A_247] : memref<917504x128xf32, #tpu.memory_space<hbm>> -> memref<112x128xf32, #tpu.memory_space<hbm>>
        %dma_wait3A_249 = arith.constant 0 : i32
        %dma_wait3A_250 = tpu.memref_slice %arg4[%add3A_246, %dma_wait3A_249] : memref<917504x128xf32, #tpu.memory_space<hbm>> -> memref<112x128xf32, #tpu.memory_space<hbm>>
        tpu.wait_dma2 semaphore(%arg20 : memref<!tpu.dma_semaphore, #tpu.memory_space<semaphore_mem>>) src(%arg8 : memref<112x128xf32, #tpu.memory_space<vmem>>) dst(%dma_wait3A_250 : memref<112x128xf32, #tpu.memory_space<hbm>>)
        %add3A_251 = arith.constant 4 : i32
        %add3A_252 = arith.addi %add3A_171, %add3A_251 : i32
        %mul3A_253 = arith.constant 112 : i32
        %mul3A_254 = arith.muli %add3A_252, %mul3A_253 : i32
        %add3A_255 = arith.constant 0 : i32
        %add3A_256 = arith.addi %mul3A_254, %add3A_255 : i32
        %dma_start3A_257 = arith.constant 0 : i32
        %dma_start3A_258 = arith.constant 0 : i32
        %dma_start3A_259 = tpu.memref_slice %arg8[%dma_start3A_257, %dma_start3A_258] : memref<112x128xf32, #tpu.memory_space<vmem>> -> memref<50x128xf32, #tpu.memory_space<vmem>>
        %dma_start3A_260 = tpu.memref_slice %arg5[%add3A_256] : memref<28672xi32, #tpu.memory_space<vmem>> -> memref<50xi32, #tpu.memory_space<vmem>>
        %dma_start3A_261 = arith.constant 0 : i32
        %dma_start3A_262 = arith.constant 0 : i32
        %dma_start3A_263 = tpu.memref_slice %arg3[%dma_start3A_261, %dma_start3A_262] : memref<8192x128xf32, #tpu.memory_space<hbm>> -> memref<8192x128xf32, #tpu.memory_space<hbm>>
        tpu.enqueue_indirect_dma source(%dma_start3A_263 : memref<8192x128xf32, #tpu.memory_space<hbm>>) target(%dma_start3A_259 : memref<50x128xf32, #tpu.memory_space<vmem>>) offsets(%dma_start3A_260 : memref<50xi32, #tpu.memory_space<vmem>>) semaphore(%arg12 : memref<!tpu.dma_semaphore, #tpu.memory_space<semaphore_mem>>)
        %mul3A_264 = arith.constant 112 : i32
        %mul3A_265 = arith.muli %add3A_252, %mul3A_264 : i32
        %add3A_266 = arith.constant 56 : i32
        %add3A_267 = arith.addi %mul3A_265, %add3A_266 : i32
        %dma_start3A_268 = arith.constant 56 : i32
        %dma_start3A_269 = arith.constant 0 : i32
        %dma_start3A_270 = tpu.memref_slice %arg8[%dma_start3A_268, %dma_start3A_269] : memref<112x128xf32, #tpu.memory_space<vmem>> -> memref<50x128xf32, #tpu.memory_space<vmem>>
        %dma_start3A_271 = tpu.memref_slice %arg5[%add3A_267] : memref<28672xi32, #tpu.memory_space<vmem>> -> memref<50xi32, #tpu.memory_space<vmem>>
        %dma_start3A_272 = arith.constant 0 : i32
        %dma_start3A_273 = arith.constant 0 : i32
        %dma_start3A_274 = tpu.memref_slice %arg3[%dma_start3A_272, %dma_start3A_273] : memref<8192x128xf32, #tpu.memory_space<hbm>> -> memref<8192x128xf32, #tpu.memory_space<hbm>>
        tpu.enqueue_indirect_dma source(%dma_start3A_274 : memref<8192x128xf32, #tpu.memory_space<hbm>>) target(%dma_start3A_270 : memref<50x128xf32, #tpu.memory_space<vmem>>) offsets(%dma_start3A_271 : memref<50xi32, #tpu.memory_space<vmem>>) semaphore(%arg16 : memref<!tpu.dma_semaphore, #tpu.memory_space<semaphore_mem>>)
      } else {
      }
      %mul3A_206 = arith.constant 4 : i32
      %mul3A_207 = arith.muli %mul3A_206, %scan3A_94 : i32
      %add3A_208 = arith.constant 3 : i32
      %add3A_209 = arith.addi %mul3A_207, %add3A_208 : i32
      %mul3A_210 = arith.constant 112 : i32
      %mul3A_211 = arith.muli %add3A_209, %mul3A_210 : i32
      %add3A_212 = arith.constant 0 : i32
      %add3A_213 = arith.addi %mul3A_211, %add3A_212 : i32
      %dma_wait3A_214 = arith.constant 0 : i32
      %dma_wait3A_215 = arith.constant 0 : i32
      %dma_wait3A_216 = tpu.memref_slice %arg9[%dma_wait3A_214, %dma_wait3A_215] : memref<112x128xf32, #tpu.memory_space<vmem>> -> memref<50x128xf32, #tpu.memory_space<vmem>>
      %dma_wait3A_217 = tpu.memref_slice %arg5[%add3A_213] : memref<28672xi32, #tpu.memory_space<vmem>> -> memref<50xi32, #tpu.memory_space<vmem>>
      %dma_wait3A_218 = arith.constant 0 : i32
      %dma_wait3A_219 = arith.constant 0 : i32
      %dma_wait3A_220 = tpu.memref_slice %arg3[%dma_wait3A_218, %dma_wait3A_219] : memref<8192x128xf32, #tpu.memory_space<hbm>> -> memref<8192x128xf32, #tpu.memory_space<hbm>>
      tpu.wait_indirect_dma semaphore(%arg13 : memref<!tpu.dma_semaphore, #tpu.memory_space<semaphore_mem>>) src(%dma_wait3A_220 : memref<8192x128xf32, #tpu.memory_space<hbm>>) dst(%dma_wait3A_216 : memref<50x128xf32, #tpu.memory_space<vmem>>)
      %mul3A_221 = arith.constant 112 : i32
      %mul3A_222 = arith.muli %add3A_209, %mul3A_221 : i32
      %add3A_223 = arith.constant 56 : i32
      %add3A_224 = arith.addi %mul3A_222, %add3A_223 : i32
      %dma_wait3A_225 = arith.constant 56 : i32
      %dma_wait3A_226 = arith.constant 0 : i32
      %dma_wait3A_227 = tpu.memref_slice %arg9[%dma_wait3A_225, %dma_wait3A_226] : memref<112x128xf32, #tpu.memory_space<vmem>> -> memref<50x128xf32, #tpu.memory_space<vmem>>
      %dma_wait3A_228 = tpu.memref_slice %arg5[%add3A_224] : memref<28672xi32, #tpu.memory_space<vmem>> -> memref<50xi32, #tpu.memory_space<vmem>>
      %dma_wait3A_229 = arith.constant 0 : i32
      %dma_wait3A_230 = arith.constant 0 : i32
      %dma_wait3A_231 = tpu.memref_slice %arg3[%dma_wait3A_229, %dma_wait3A_230] : memref<8192x128xf32, #tpu.memory_space<hbm>> -> memref<8192x128xf32, #tpu.memory_space<hbm>>
      tpu.wait_indirect_dma semaphore(%arg17 : memref<!tpu.dma_semaphore, #tpu.memory_space<semaphore_mem>>) src(%dma_wait3A_231 : memref<8192x128xf32, #tpu.memory_space<hbm>>) dst(%dma_wait3A_227 : memref<50x128xf32, #tpu.memory_space<vmem>>)
      %mul3A_232 = arith.constant 112 : i32
      %mul3A_233 = arith.muli %add3A_209, %mul3A_232 : i32
      %add3A_234 = arith.addi %mul3A_2, %mul3A_233 : i32
      %dma_start3A_235 = arith.constant 0 : i32
      %dma_start3A_236 = tpu.memref_slice %arg4[%add3A_234, %dma_start3A_235] : memref<917504x128xf32, #tpu.memory_space<hbm>> -> memref<112x128xf32, #tpu.memory_space<hbm>>
      %dma_start3A_237 = arith.constant 0 : i32
      %dma_start3A_238 = tpu.memref_slice %arg4[%add3A_234, %dma_start3A_237] : memref<917504x128xf32, #tpu.memory_space<hbm>> -> memref<112x128xf32, #tpu.memory_space<hbm>>
      tpu.enqueue_dma source(%arg9 : memref<112x128xf32, #tpu.memory_space<vmem>>) target(%dma_start3A_238 : memref<112x128xf32, #tpu.memory_space<hbm>>) target_semaphore(%arg21 : memref<!tpu.dma_semaphore, #tpu.memory_space<semaphore_mem>>)
      %lt3A_239 = arith.constant 63 : i32
      %lt3A_240 = arith.cmpi slt, %scan3A_94, %lt3A_239 : i32
      %convert_element_type3A_241 = arith.extui %lt3A_240 : i1 to i32
      %cond3A_242 = arith.constant 0 : i32
      %cond3A_243 = arith.cmpi ne, %convert_element_type3A_241, %cond3A_242 : i32
      scf.if %cond3A_243 {
        %mul3A_244 = arith.constant 112 : i32
        %mul3A_245 = arith.muli %add3A_209, %mul3A_244 : i32
        %add3A_246 = arith.addi %mul3A_2, %mul3A_245 : i32
        %dma_wait3A_247 = arith.constant 0 : i32
        %dma_wait3A_248 = tpu.memref_slice %arg4[%add3A_246, %dma_wait3A_247] : memref<917504x128xf32, #tpu.memory_space<hbm>> -> memref<112x128xf32, #tpu.memory_space<hbm>>
        %dma_wait3A_249 = arith.constant 0 : i32
        %dma_wait3A_250 = tpu.memref_slice %arg4[%add3A_246, %dma_wait3A_249] : memref<917504x128xf32, #tpu.memory_space<hbm>> -> memref<112x128xf32, #tpu.memory_space<hbm>>
        tpu.wait_dma2 semaphore(%arg21 : memref<!tpu.dma_semaphore, #tpu.memory_space<semaphore_mem>>) src(%arg9 : memref<112x128xf32, #tpu.memory_space<vmem>>) dst(%dma_wait3A_250 : memref<112x128xf32, #tpu.memory_space<hbm>>)
        %add3A_251 = arith.constant 4 : i32
        %add3A_252 = arith.addi %add3A_209, %add3A_251 : i32
        %mul3A_253 = arith.constant 112 : i32
        %mul3A_254 = arith.muli %add3A_252, %mul3A_253 : i32
        %add3A_255 = arith.constant 0 : i32
        %add3A_256 = arith.addi %mul3A_254, %add3A_255 : i32
        %dma_start3A_257 = arith.constant 0 : i32
        %dma_start3A_258 = arith.constant 0 : i32
        %dma_start3A_259 = tpu.memref_slice %arg9[%dma_start3A_257, %dma_start3A_258] : memref<112x128xf32, #tpu.memory_space<vmem>> -> memref<50x128xf32, #tpu.memory_space<vmem>>
        %dma_start3A_260 = tpu.memref_slice %arg5[%add3A_256] : memref<28672xi32, #tpu.memory_space<vmem>> -> memref<50xi32, #tpu.memory_space<vmem>>
        %dma_start3A_261 = arith.constant 0 : i32
        %dma_start3A_262 = arith.constant 0 : i32
        %dma_start3A_263 = tpu.memref_slice %arg3[%dma_start3A_261, %dma_start3A_262] : memref<8192x128xf32, #tpu.memory_space<hbm>> -> memref<8192x128xf32, #tpu.memory_space<hbm>>
        tpu.enqueue_indirect_dma source(%dma_start3A_263 : memref<8192x128xf32, #tpu.memory_space<hbm>>) target(%dma_start3A_259 : memref<50x128xf32, #tpu.memory_space<vmem>>) offsets(%dma_start3A_260 : memref<50xi32, #tpu.memory_space<vmem>>) semaphore(%arg13 : memref<!tpu.dma_semaphore, #tpu.memory_space<semaphore_mem>>)
        %mul3A_264 = arith.constant 112 : i32
        %mul3A_265 = arith.muli %add3A_252, %mul3A_264 : i32
        %add3A_266 = arith.constant 56 : i32
        %add3A_267 = arith.addi %mul3A_265, %add3A_266 : i32
        %dma_start3A_268 = arith.constant 56 : i32
        %dma_start3A_269 = arith.constant 0 : i32
        %dma_start3A_270 = tpu.memref_slice %arg9[%dma_start3A_268, %dma_start3A_269] : memref<112x128xf32, #tpu.memory_space<vmem>> -> memref<50x128xf32, #tpu.memory_space<vmem>>
        %dma_start3A_271 = tpu.memref_slice %arg5[%add3A_267] : memref<28672xi32, #tpu.memory_space<vmem>> -> memref<50xi32, #tpu.memory_space<vmem>>
        %dma_start3A_272 = arith.constant 0 : i32
        %dma_start3A_273 = arith.constant 0 : i32
        %dma_start3A_274 = tpu.memref_slice %arg3[%dma_start3A_272, %dma_start3A_273] : memref<8192x128xf32, #tpu.memory_space<hbm>> -> memref<8192x128xf32, #tpu.memory_space<hbm>>
        tpu.enqueue_indirect_dma source(%dma_start3A_274 : memref<8192x128xf32, #tpu.memory_space<hbm>>) target(%dma_start3A_270 : memref<50x128xf32, #tpu.memory_space<vmem>>) offsets(%dma_start3A_271 : memref<50xi32, #tpu.memory_space<vmem>>) semaphore(%arg17 : memref<!tpu.dma_semaphore, #tpu.memory_space<semaphore_mem>>)
      } else {
      }
    }
    %scan3A_70 = arith.constant 64 : i32
    %add3A_71 = arith.constant 28224 : i32
    %add3A_72 = arith.addi %mul3A_2, %add3A_71 : i32
    %dma_wait3A = arith.constant 0 : i32
    %dma_wait3A_73 = tpu.memref_slice %arg4[%add3A_72, %dma_wait3A] : memref<917504x128xf32, #tpu.memory_space<hbm>> -> memref<112x128xf32, #tpu.memory_space<hbm>>
    %dma_wait3A_74 = arith.constant 0 : i32
    %dma_wait3A_75 = tpu.memref_slice %arg4[%add3A_72, %dma_wait3A_74] : memref<917504x128xf32, #tpu.memory_space<hbm>> -> memref<112x128xf32, #tpu.memory_space<hbm>>
    tpu.wait_dma2 semaphore(%arg18 : memref<!tpu.dma_semaphore, #tpu.memory_space<semaphore_mem>>) src(%arg6 : memref<112x128xf32, #tpu.memory_space<vmem>>) dst(%dma_wait3A_75 : memref<112x128xf32, #tpu.memory_space<hbm>>)
    %add3A_76 = arith.constant 28336 : i32
    %add3A_77 = arith.addi %mul3A_2, %add3A_76 : i32
    %dma_wait3A_78 = arith.constant 0 : i32
    %dma_wait3A_79 = tpu.memref_slice %arg4[%add3A_77, %dma_wait3A_78] : memref<917504x128xf32, #tpu.memory_space<hbm>> -> memref<112x128xf32, #tpu.memory_space<hbm>>
    %dma_wait3A_80 = arith.constant 0 : i32
    %dma_wait3A_81 = tpu.memref_slice %arg4[%add3A_77, %dma_wait3A_80] : memref<917504x128xf32, #tpu.memory_space<hbm>> -> memref<112x128xf32, #tpu.memory_space<hbm>>
    tpu.wait_dma2 semaphore(%arg19 : memref<!tpu.dma_semaphore, #tpu.memory_space<semaphore_mem>>) src(%arg7 : memref<112x128xf32, #tpu.memory_space<vmem>>) dst(%dma_wait3A_81 : memref<112x128xf32, #tpu.memory_space<hbm>>)
    %add3A_82 = arith.constant 28448 : i32
    %add3A_83 = arith.addi %mul3A_2, %add3A_82 : i32
    %dma_wait3A_84 = arith.constant 0 : i32
    %dma_wait3A_85 = tpu.memref_slice %arg4[%add3A_83, %dma_wait3A_84] : memref<917504x128xf32, #tpu.memory_space<hbm>> -> memref<112x128xf32, #tpu.memory_space<hbm>>
    %dma_wait3A_86 = arith.constant 0 : i32
    %dma_wait3A_87 = tpu.memref_slice %arg4[%add3A_83, %dma_wait3A_86] : memref<917504x128xf32, #tpu.memory_space<hbm>> -> memref<112x128xf32, #tpu.memory_space<hbm>>
    tpu.wait_dma2 semaphore(%arg20 : memref<!tpu.dma_semaphore, #tpu.memory_space<semaphore_mem>>) src(%arg8 : memref<112x128xf32, #tpu.memory_space<vmem>>) dst(%dma_wait3A_87 : memref<112x128xf32, #tpu.memory_space<hbm>>)
    %add3A_88 = arith.constant 28560 : i32
    %add3A_89 = arith.addi %mul3A_2, %add3A_88 : i32
    %dma_wait3A_90 = arith.constant 0 : i32
    %dma_wait3A_91 = tpu.memref_slice %arg4[%add3A_89, %dma_wait3A_90] : memref<917504x128xf32, #tpu.memory_space<hbm>> -> memref<112x128xf32, #tpu.memory_space<hbm>>
    %dma_wait3A_92 = arith.constant 0 : i32
    %dma_wait3A_93 = tpu.memref_slice %arg4[%add3A_89, %dma_wait3A_92] : memref<917504x128xf32, #tpu.memory_space<hbm>> -> memref<112x128xf32, #tpu.memory_space<hbm>>
    tpu.wait_dma2 semaphore(%arg21 : memref<!tpu.dma_semaphore, #tpu.memory_space<semaphore_mem>>) src(%arg9 : memref<112x128xf32, #tpu.memory_space<vmem>>) dst(%dma_wait3A_93 : memref<112x128xf32, #tpu.memory_space<hbm>>)
    return
  }
}

</mosaic_0001>

<sc_bundles>
// kernel: kernel.3.cloned.1.call-start
scs
__scs_entry_jumppad:
0x0: {  	(pc) =	sbr.rel $0x88, $3  }
0x1: {  	(tag) =	ssettag $0x0;
	lr =	simm.s32 $0x1  }
0x2: {  	[smem:$0x3F9F] =	sst lr;
	_ =	strace $0xD0000000  }
0x3: {  	_ = 	snop  }
0x4: {  	_ = 	snop  }
0x5: {  	_ = 	snop  }
0x6: {  	_ = 	snop  }
0x7: {  	_ = 	snop  }
__scs_overlays_trampoline_lowered:
0x8: {  	[smem:$0x3FAE] =	sst s0  }
0x9: {  	[smem:$0x3FAF] =	sst s1  }
0xa: {  	[smem:$0x3FB0] =	sst s2  }
0xb: {  	[smem:$0x3FB1] =	sst s3  }
0xc: {  	[smem:$0x3FB2] =	sst s4  }
0xd: {  	[smem:$0x3FB3] =	sst s5  }
0xe: {  	[smem:$0x3FB4] =	sst s6  }
0xf: {  	[smem:$0x3FB5] =	sst s7  }
0x10: {  	[smem:$0x3FB6] =	sst s8  }
0x11: {  	[smem:$0x3FB7] =	sst s9;
	s0 =	simm.s32 @!p0 $0x0  }
0x12: {  	s1 =	sld [smem:$0x3F9D];
	s0 =	simm.s32 @p0 $0x1  }
0x13: {  	[smem:$0x3FB8] =	sst s0;
	s0 =	simm.s32 @!p1 $0x0  }
0x14: {  	s2 =	sld [smem:$0x3F9C];
	s0 =	simm.s32 @p1 $0x1  }
0x15: {  	[smem:$0x3FB9] =	sst s0;
	s0 =	simm.s32 @!p2 $0x0  }
0x16: {  	s3 =	sld [smem:$0x3FDB];
	s0 =	simm.s32 @p2 $0x1  }
0x17: {  	s4 =	simm.s32 $0x1BF5;
	[smem:$0x3FBB] =	sst s0  }
0x18: {  	s0 =	sld [smem:$0x3F9E];
	_ =	swait.ge [sflag:s4], $0x0  }
0x19: {  	s7 =	sld [smem:$0x3F9F]  }
0x1a: {  	s8 =	sadd.s32 $0xFFFFE003, lr  }
0x1b: {  	s9 =	sadd.s32 $0xFFFFFEF7, lr;
	s5 =	simm.s32 $0xFFFFFFFF;
	p2 =	slt.u32 s8, $0xFFFFF086  }
0x1c: {  	p1 =	slt.u32 s9, $0xF7A;
	s5 =	simm.s32 @!p2 $0x0  }
0x1d: {  	s5 =	simm.s32 @p1 $0x1;
	p0 =	seq.s32 s7, s2  }
0x1e: {  	s7 =	smul.u32 @!p0 $0xF7A, s2;
	p2 =	seq.s32 @!p0 s5, $0x0  }
0x1f: {  	s9 =	smul.u32 $0xF7A, s1;
	s8 =	simm.s32 @!p0 $0x1BF5;
	p2 =	por !p2, p0  }
0x20: {  	[sflag:s8] =	ssyncset.s32 @!p0 $0xFFFFF086;
	s6 =	sadd.s32 @!p0 s3, s7;
	s7 =	simm.s32 @!p0 $0x108  }
0x21: {  	s3 =	sadd.s32 s3, s9;
	s6 =	sadd.s32 @!p0 $0x88, s6;
	s7 =	simm.s32 @p2 $0x1082  }
0x22: {  	[simem:s7], [sflag:s8] =	dma.local @!p0 [hbm:s6], $0xF7A  }
0x23: {  	s9 =	sor.u32 $0xD0000000, s2;
	s6 =	simm.s32 $0x108;
	_ =	swait.ge @!p0 [sflag:s8], $0x0  }
0x24: {  	s3 =	sadd.s32 $0x88, s3;
	s6 =	simm.s32 @!p1 $0x1082;
	[sflag:s4] =	ssyncset.s32 $0xFFFFF086  }
0x25: {  	[simem:s6], [sflag:s4] =	dma.local [hbm:s3], $0xF7A  }
0x26: {  	[smem:$0x3F9F] =	sst s1;
	(tag) =	ssettag s2;
	_ =	strace s9  }
0x27: {  	s1 =	sld [smem:$0x3FAF]  }
0x28: {  	s2 =	sld [smem:$0x3FB0]  }
0x29: {  	s4 =	sld [smem:$0x3FB2]  }
0x2a: {  	p0 =	seq.s32 s5, $0x0;
	s5 =	sld [smem:$0x3FB3]  }
0x2b: {  	s6 =	sld [smem:$0x3FB4]  }
0x2c: {  	s7 =	sld [smem:$0x3FB5]  }
0x2d: {  	s3 =	simm.s32 $0x108;
	s8 =	sld [smem:$0x3FB6]  }
0x2e: {  	s3 =	simm.s32 @!p0 $0x1082;
	s9 =	sld [smem:$0x3FB7]  }
0x2f: {  	lr =	sadd.s32 s0, s3;
	s0 =	sld [smem:$0x3FAE]  }
0x30: {  	s3 =	sld [smem:$0x3FB1]  }
0x31: {  	[smem:$0x3FBA] =	sst s10  }
0x32: {  	s10 =	sld [smem:$0x3FB8];
	_ =	sdelay $0x3  }
0x33: {  	p0 =	seq.s32 s10, $0x1;
	s10 =	sld [smem:$0x3FBA];
	_ =	sdelay $0x3  }
0x34: {  	[smem:$0x3FBA] =	sst s10  }
0x35: {  	s10 =	sld [smem:$0x3FB9];
	_ =	sdelay $0x3  }
0x36: {  	p1 =	seq.s32 s10, $0x1;
	s10 =	sld [smem:$0x3FBA];
	_ =	sdelay $0x3  }
0x37: {  	[smem:$0x3FBA] =	sst s10  }
0x38: {  	s10 =	sld [smem:$0x3FBB]  }
0x39: {  	_ = 	snop;
	(pc) =	sbr.ind lr, $3  }
0x3a: {  	_ = 	snop  }
0x3b: {  	_ = 	snop  }
0x3c: {  	p2 =	seq.s32 s10, $0x1;
	s10 =	sld [smem:$0x3FBA]  }
0x3d: {  	_ =	shalt  }
0x3e: {  	_ =	shalt  }
0x3f: {  	_ =	shalt  }
0x40: {  	_ =	shalt  }
0x41: {  	_ =	shalt  }
0x42: {  	_ =	shalt  }
0x43: {  	_ =	shalt  }
0x44: {  	_ =	shalt  }
0x45: {  	_ =	shalt  }
0x46: {  	_ =	shalt  }
0x47: {  	_ =	shalt  }
0x48: {  	_ =	shalt  }
0x49: {  	_ =	shalt  }
0x4a: {  	_ =	shalt  }
0x4b: {  	_ =	shalt  }
0x4c: {  	_ =	shalt  }
0x4d: {  	_ =	shalt  }
0x4e: {  	_ =	shalt  }
0x4f: {  	_ =	shalt  }
0x50: {  	_ =	shalt  }
0x51: {  	_ =	shalt  }
0x52: {  	_ =	shalt  }
0x53: {  	_ =	shalt  }
0x54: {  	_ =	shalt  }
0x55: {  	_ =	shalt  }
0x56: {  	_ =	shalt  }
0x57: {  	_ =	shalt  }
0x58: {  	_ =	shalt  }
0x59: {  	_ =	shalt  }
0x5a: {  	_ =	shalt  }
0x5b: {  	_ =	shalt  }
0x5c: {  	_ =	shalt  }
0x5d: {  	_ =	shalt  }
0x5e: {  	_ =	shalt  }
0x5f: {  	_ =	shalt  }
0x60: {  	_ =	shalt  }
0x61: {  	_ =	shalt  }
0x62: {  	_ =	shalt  }
0x63: {  	_ =	shalt  }
0x64: {  	_ =	shalt  }
0x65: {  	_ =	shalt  }
0x66: {  	_ =	shalt  }
0x67: {  	_ =	shalt  }
0x68: {  	_ =	shalt  }
0x69: {  	_ =	shalt  }
0x6a: {  	_ =	shalt  }
0x6b: {  	_ =	shalt  }
0x6c: {  	_ =	shalt  }
0x6d: {  	_ =	shalt  }
0x6e: {  	_ =	shalt  }
0x6f: {  	_ =	shalt  }
0x70: {  	_ =	shalt  }
0x71: {  	_ =	shalt  }
0x72: {  	_ =	shalt  }
0x73: {  	_ =	shalt  }
0x74: {  	_ =	shalt  }
0x75: {  	_ =	shalt  }
0x76: {  	_ =	shalt  }
0x77: {  	_ =	shalt  }
0x78: {  	_ =	shalt  }
0x79: {  	_ =	shalt  }
0x7a: {  	_ =	shalt  }
0x7b: {  	_ =	shalt  }
0x7c: {  	_ =	shalt  }
0x7d: {  	_ =	shalt  }
0x7e: {  	_ =	shalt  }
0x7f: {  	_ =	shalt  }
0x80: {  	_ =	shalt  }
0x81: {  	_ =	shalt  }
0x82: {  	_ =	shalt  }
0x83: {  	_ =	shalt  }
0x84: {  	_ =	shalt  }
0x85: {  	_ =	shalt  }
0x86: {  	_ =	shalt  }
0x87: {  	_ =	shalt  }
.Lfunc_end0:
.L_simem_size_0:
called_computation.1_lowered:
.L_overlay_start_0:
0x88: {  	s2 =	sld [smem:$0x3FD9]  }
0x89: {  	s3 =	sld [smem:$0x3FFE];
	_ =	sdelay $0x1  }
0x8a: {  	s1 =	srdreg.scid  }
0x8b: {  	s0 =	sand.u32 $0x1, s1  }
0x8c: {  	s17 =	sshll.u32 s0, $0xA;
	s2 =	sadd.s32 s3, s2  }
0x8d: {  	s2 =	sadd.s32 s2, s17  }
0x8e: {  	[smem:$0x3FC6] =	sst s2  }
0x8f: {  	_ = 	snop  }
0x90: {  	s2 =	sld [smem:$0x3FD0];
	(tm) =	ssettm $0x1  }
0x91: {  	s18 =	sld [smem:$0x3FFB];
	_ =	sdelay $0x3  }
0x92: {  	_ =	strace s18  }
0x93: {  	s3 =	sld [smem:$0x3FFC];
	_ =	sdelay $0x3  }
0x94: {  	_ =	strace s3  }
0x95: {  	s3 =	sld [smem:$0x3FFD];
	_ =	sdelay $0x3  }
0x96: {  	_ =	strace s3  }
0x97: {  	_ =	strace $0x8FFFFFFF  }
0x98: {  	s19 =	sld [smem:$0x3FDB];
	_ =	sdelay $0x1  }
0x99: {  	s4 =	simm.s32 $_scs_section_size  }
0x9a: {  	s5 =	simm.s32 $_size__tile_overlayer_lowered;
	s6 =	simm.s32 $_tile_overlayer_lowered  }
0x9b: {  	s22 =	simm.s32 $0x1BFF;
	s21 =	sshll.u32 s6, $0x1;
	s3 =	sadd.s32 s4, s19  }
0x9c: {  	s7 =	simm.s32 $0x0;
	s20 =	sshll.u32 s5, $0x1;
	s5 =	sadd.s32 s21, s3  }
0x9d: {  	[timem:s7], [sflag:s22] =	dma.local [hbm:s5], s20  }
0x9e: {  	_ =	swait.ge [sflag:s22], s20  }
0x9f: {  	s4 =	ssub.s32 $0x0, s20;
	[sflag:s22] =	ssyncset.done $0x0  }
0xa0: {  	[sflag:s22] =	ssyncadd.s32 s4;
	_ =	sdelay $0x1  }
0xa1: {  	s23 =	simm.s32 $0x1B8B  }
0xa2: {  	_ =	swait.ge [sflag:s23], $0x1  }
0xa3: {  	[sflag:s23] =	ssyncset.done $0x0  }
0xa4: {  	s25 =	simm.s32 $0x1B8E;
	s24 =	sld [smem:$0x3FFE];
	[sflag:s23] =	ssyncadd.s32 $0xFFFFFFFF  }
0xa5: {  	s26 =	simm.s32 $execute0_lowered;
	[smem:$0x3FD2] =	sst s25  }
0xa6: {  	s5 =	sshll.u32 s26, $0x1;
	_ =	strace $0x80000046;
	[dreg:$0x1] =	wrdreg $0xFFFFFFFF  }
0xa7: {  	s28 =	simm.s32 $_size_execute0_lowered;
	s3 =	sadd.s32 s3, s5;
	[dreg:$0x0] =	wrdreg $0x0  }
0xa8: {  	s5 =	sshll.u32 s28, $0x1;
	[dreg:$0x2] =	wrdreg s3  }
0xa9: {  	[dreg:$0x3] =	wrdreg s5  }
0xaa: {  	[dreg:$0x4] =	wrdreg $0xC0  }
0xab: {  	_ =	task [dreg:s7], $0x5FFFF  }
0xac: {  	[dreg:$0x1] =	wrdreg $0xFFFFFFFF  }
0xad: {  	[dreg:$0x0] =	wrdreg $0x60  }
0xae: {  	[dreg:$0x2] =	wrdreg s24  }
0xaf: {  	[dreg:$0x3] =	wrdreg s2  }
0xb0: {  	[dreg:$0x4] =	wrdreg $0x9  }
0xb1: {  	_ =	task.clear_ibuf [dreg:s7], $0x5FFFF;
	_ =	strace $0x90000046  }
0xb2: {  	s29 =	simm.s32 $0x9;
	_ =	strace $0x80000048  }
0xb3: {  	_ =	swait.ge [sflag:s29], $0x1  }
0xb4: {  	[sflag:s29] =	ssyncadd.s32 $0xFFFFFFFF  }
0xb5: {  	_ =	strace $0x90000048  }
0xb6: {  	_ =	sfence  }
0xb7: {  	s30 =	sld [smem:$0x0];
	_ =	sdelay $0x2  }
0xb8: {  	s31 =	sshll.u32 s1, $0xD;
	s1 =	sshrl.u32 s1, $0x2  }
0xb9: {  	s3 =	sand.u32 $0x4000, s31;
	s1 =	sadd.s32 s1, s30  }
0xba: {  	s0 =	sor.u32 s3, s0;
	s1 =	sshll.u32 s1, $0x11  }
0xbb: {  	s0 =	sor.u32 s1, s0  }
0xbc: {  	s0 =	sadd.s32 $0x8F2B, s0  }
0xbd: {  	[sflag:s0] =	ssyncadd.remote.s32 $0x1  }
0xbe: {  	_ =	sfence.sel $0xFFFF  }
0xbf: {  	[dreg:$0x0] =	wrdreg $0xFFFFFFFF;
	(pc) =	sbr.abs _section_cstart, $3  }
0xc0: {  	[dreg:$0x1] =	wrdreg $0xFFFFFFFF  }
0xc1: {  	_ =	task.clear_ibuf [dreg:s7], $0x2FFFF;
	_ =	strace $0x9FFFFFFF  }
0xc2: {  	(tm) =	ssettm $0x7FFFFFFF  }
0xc3: {  	_ =	shalt  }
tec
execute0_lowered:
.L_overlay_start_1:
0x0: {  	(tag) =	ssettag $0x1  }
0x1: {  	s0 =	srdreg.scid;
	s1 =	rddreg [dreg:$0x0]  }
0x2: {  	s5 =	stileid.u32;
	s2 =	rddreg [dreg:$0x1];
	s8 =	simm.s32 $0x32  }
0x3: {  	s9 =	simm.s32 $0x7000;
	s13 =	simm.s32 $0xA800;
	s17 =	simm.s32 $0xE000  }
0x4: {  	s21 =	simm.s32 $0x11800;
	s23 =	simm.s32 $0x13400;
	s24 =	simm.s32 $0x1  }
0x5: {  	s25 =	simm.s32 $0x5;
	s26 =	simm.s32 $0x2;
	s28 =	simm.s32 $0x6  }
0x6: {  	s29 =	simm.s32 $0x3;
	s30 =	simm.s32 $0x7;
	s31 =	simm.s32 $0x4  }
0x7: {  	s10 =	simm.s32 $0xA;
	s11 =	simm.s32 $0xB;
	s12 =	simm.s32 $0xC  }
0x8: {  	s0 =	sand.u32 $0x1, s0;
	s3 =	sshll.u32 s5, $0x1;
	s5 =	smul.u32 $0xE0000, s5  }
0x9: {  	s4 =	sor.u32 s0, s3;
	s6 =	ssub.s32 $0x2, s0;
	s0 =	smul.u32 $0x70000, s0  }
0xa: {  	s14 =	simm.s32 $0x0;
	s3 =	simm.s32 $0x0;
	s4 =	smul.u32 $0x7000, s4  }
.Ltmp0:
0xb: {  	[smem:$0x7FF] =	sst s3;
	s7 =	sshrl.u32 s6, $0x1;
	(pc) =	sbr.rel .LBB2_1-.Ltmp0, $4  }
0xc: {  	s5 =	sadd.s32 s5, s1;
	_ =	strace $0x80000047;
	s6 =	ssub.s32 s6, s7  }
0xd: {  	s0 =	sadd.s32 s0, s5;
	s7 =	simm.s32 $0xD;
	s4 =	sshrl.u32 s4, $0x3  }
0xe: {  	s5 =	smax.u32 s6, $0x1;
	s15 =	sadd.s32 $0x1DF00, s0;
	s1 =	sadd.s32 s4, s1  }
0xf: {  	s0 =	simm.s32 $0x9;
	s4 =	sadd.s32 $0xA00, s1;
	s1 =	simm.s32 $0x8  }
.LBB2_4:
0x10: {  	_ =	swait.ge [sflag:s0], $0x3800  }
0x11: {  	[sflag:s0] =	ssyncset.done $0x0  }
0x12: {  	[sflag:s0] =	ssyncadd.s32 $0xFFFFC800  }
0x13: {  	_ =	swait.ge [sflag:s10], $0x3800  }
0x14: {  	[sflag:s10] =	ssyncset.done $0x0  }
0x15: {  	s14 =	sadd.s32 $0x1, s14;
	[sflag:s10] =	ssyncadd.s32 $0xFFFFC800  }
0x16: {  	p0 =	sne.s32 s14, s5;
	_ =	swait.ge [sflag:s11], $0x3800  }
.Ltmp1:
0x17: {  	[sflag:s11] =	ssyncset.done $0x0;
	(pc) =	sbr.rel @!p0 .LBB2_5-.Ltmp1, $4  }
0x18: {  	[sflag:s11] =	ssyncadd.s32 $0xFFFFC800  }
0x19: {  	_ =	swait.ge [sflag:s12], $0x3800  }
0x1a: {  	[sflag:s12] =	ssyncset.done $0x0  }
0x1b: {  	[sflag:s12] =	ssyncadd.s32 $0xFFFFC800  }
.LBB2_1:
0x1c: {  	[tilespmem:s3], [sflag:$0xD] =	stream.linear.gather [hbm4b:s4+s3], $0x7000, $0x38;
	[tilespmem:$0x15000] =	vst v63  }
0x1d: {  	_ =	swait.ge [sflag:s7], $0x7000  }
0x1e: {  	[sflag:s7] =	ssyncset.done $0x0  }
0x1f: {  	[sflag:s7] =	ssyncadd.s32 $0xFFFF9000  }
0x20: {  	[tilespmem:s9], [sflag:$0x1] =	stream.indirect.gather [hbm4b:s2+s8], $0x80, s3, s8, $0xb8;
	[tilespmem:$0x15000] =	vst v63  }
0x21: {  	s6 =	simm.s32 $0x38;
	s16 =	simm.s32 $0x8C00  }
0x22: {  	[tilespmem:s16], [sflag:$0x5] =	stream.indirect.gather [hbm4b:s2+s8], $0x80, s6, s8, $0xb8;
	[tilespmem:$0x15000] =	vst v63  }
0x23: {  	s19 =	simm.s32 $0x70  }
0x24: {  	[tilespmem:s13], [sflag:$0x2] =	stream.indirect.gather [hbm4b:s2+s8], $0x80, s19, s8, $0xb8;
	[tilespmem:$0x15000] =	vst v63  }
0x25: {  	s20 =	simm.s32 $0xA8;
	s22 =	simm.s32 $0xC400  }
0x26: {  	[tilespmem:s22], [sflag:$0x6] =	stream.indirect.gather [hbm4b:s2+s8], $0x80, s20, s8, $0xb8;
	[tilespmem:$0x15000] =	vst v63  }
0x27: {  	s16 =	simm.s32 $0xE0  }
0x28: {  	[tilespmem:s17], [sflag:$0x3] =	stream.indirect.gather [hbm4b:s2+s8], $0x80, s16, s8, $0xb8;
	[tilespmem:$0x15000] =	vst v63  }
0x29: {  	s18 =	simm.s32 $0x118;
	s19 =	simm.s32 $0xFC00  }
0x2a: {  	[tilespmem:s19], [sflag:$0x7] =	stream.indirect.gather [hbm4b:s2+s8], $0x80, s18, s8, $0xb8;
	[tilespmem:$0x15000] =	vst v63  }
0x2b: {  	s20 =	simm.s32 $0x150  }
0x2c: {  	[tilespmem:s21], [sflag:$0x4] =	stream.indirect.gather [hbm4b:s2+s8], $0x80, s20, s8, $0xb8;
	[tilespmem:$0x15000] =	vst v63  }
0x2d: {  	s6 =	smov.u32 s15;
	s22 =	simm.s32 $0x188;
	s16 =	simm.s32 $0x0  }
0x2e: {  	[tilespmem:s23], [sflag:$0x8] =	stream.indirect.gather [hbm4b:s2+s8], $0x80, s22, s8, $0xb8;
	[tilespmem:$0x15000] =	vst v63  }
.LBB2_2:
0x2f: {  	_ =	swait.ge [sflag:s24], $0x1900  }
0x30: {  	[sflag:s24] =	ssyncset.done $0x0  }
0x31: {  	[sflag:s24] =	ssyncadd.s32 $0xFFFFE700  }
0x32: {  	_ =	swait.ge [sflag:s25], $0x1900  }
0x33: {  	[sflag:s25] =	ssyncset.done $0x0  }
0x34: {  	s18 =	sadd.s32 $0xFFFFEB00, s6;
	p0 =	seq.s32 s16, $0x1B900;
	[sflag:s25] =	ssyncadd.s32 $0xFFFFE700  }
0x35: {  	[hbm4b:s18+s3] =	stream.linear.scatter [tilespmem:s9], [sflag:$0x9], $0x3800, $0x38;
	[tilespmem:$0x15000] =	vst v63  }
0x36: {  	s18 =	simm.s32 @!p0 $0x9  }
0x37: {  	_ =	swait.ge @!p0 [sflag:s18], $0x3800  }
0x38: {  	[sflag:s18] =	ssyncset.done @!p0 $0x0  }
0x39: {  	[sflag:s18] =	ssyncadd.s32 @!p0 $0xFFFFC800;
	s18 =	sshra.s32 @!p0 s16, $0x2  }
0x3a: {  	s20 =	simm.s32 @!p0 $0x32;
	s22 =	simm.s32 @!p0 $0x7000;
	s19 =	sadd.s32 @!p0 $0x1C0, s18  }
0x3b: {  	[tilespmem:s22], [sflag:$0x1] =	stream.indirect.gather @!p0 [hbm4b:s2+s20], $0x80, s19, s20, $0xb8;
	[tilespmem:$0x15000] =	vst v63  }
0x3c: {  	s19 =	sadd.s32 @!p0 $0x1F8, s18;
	s22 =	simm.s32 @!p0 $0x8C00  }
0x3d: {  	[tilespmem:s22], [sflag:$0x5] =	stream.indirect.gather @!p0 [hbm4b:s2+s20], $0x80, s19, s20, $0xb8;
	[tilespmem:$0x15000] =	vst v63  }
0x3e: {  	_ =	swait.ge [sflag:s26], $0x1900  }
0x3f: {  	[sflag:s26] =	ssyncset.done $0x0  }
0x40: {  	[sflag:s26] =	ssyncadd.s32 $0xFFFFE700  }
0x41: {  	_ =	swait.ge [sflag:s28], $0x1900  }
0x42: {  	[sflag:s28] =	ssyncset.done $0x0  }
0x43: {  	s22 =	sadd.s32 $0xFFFFF200, s6;
	s19 =	simm.s32 @!p0 $0xA;
	[sflag:s28] =	ssyncadd.s32 $0xFFFFE700  }
0x44: {  	[hbm4b:s22+s3] =	stream.linear.scatter [tilespmem:s13], [sflag:$0xA], $0x3800, $0x38;
	[tilespmem:$0x15000] =	vst v63  }
0x45: {  	_ =	swait.ge @!p0 [sflag:s19], $0x3800  }
0x46: {  	[sflag:s19] =	ssyncset.done @!p0 $0x0  }
0x47: {  	s22 =	simm.s32 @!p0 $0xA800;
	[sflag:s19] =	ssyncadd.s32 @!p0 $0xFFFFC800;
	s19 =	sadd.s32 @!p0 $0x230, s18  }
0x48: {  	[tilespmem:s22], [sflag:$0x2] =	stream.indirect.gather @!p0 [hbm4b:s2+s20], $0x80, s19, s20, $0xb8;
	[tilespmem:$0x15000] =	vst v63  }
0x49: {  	s19 =	sadd.s32 @!p0 $0x268, s18;
	s22 =	simm.s32 @!p0 $0xC400  }
0x4a: {  	[tilespmem:s22], [sflag:$0x6] =	stream.indirect.gather @!p0 [hbm4b:s2+s20], $0x80, s19, s20, $0xb8;
	[tilespmem:$0x15000] =	vst v63  }
0x4b: {  	_ =	swait.ge [sflag:s29], $0x1900  }
0x4c: {  	[sflag:s29] =	ssyncset.done $0x0  }
0x4d: {  	[sflag:s29] =	ssyncadd.s32 $0xFFFFE700  }
0x4e: {  	_ =	swait.ge [sflag:s30], $0x1900  }
0x4f: {  	[sflag:s30] =	ssyncset.done $0x0  }
0x50: {  	s22 =	sadd.s32 $0xFFFFF900, s6;
	s19 =	simm.s32 @!p0 $0xB;
	[sflag:s30] =	ssyncadd.s32 $0xFFFFE700  }
0x51: {  	[hbm4b:s22+s3] =	stream.linear.scatter [tilespmem:s17], [sflag:$0xB], $0x3800, $0x38;
	[tilespmem:$0x15000] =	vst v63  }
0x52: {  	_ =	swait.ge @!p0 [sflag:s19], $0x3800  }
0x53: {  	[sflag:s19] =	ssyncset.done @!p0 $0x0  }
0x54: {  	s22 =	simm.s32 @!p0 $0xE000;
	[sflag:s19] =	ssyncadd.s32 @!p0 $0xFFFFC800;
	s19 =	sadd.s32 @!p0 $0x2A0, s18  }
0x55: {  	[tilespmem:s22], [sflag:$0x3] =	stream.indirect.gather @!p0 [hbm4b:s2+s20], $0x80, s19, s20, $0xb8;
	[tilespmem:$0x15000] =	vst v63  }
0x56: {  	s18 =	sadd.s32 @!p0 $0x2D8, s18;
	s19 =	simm.s32 @!p0 $0xFC00  }
0x57: {  	[tilespmem:s19], [sflag:$0x7] =	stream.indirect.gather @!p0 [hbm4b:s2+s20], $0x80, s18, s20, $0xb8;
	[tilespmem:$0x15000] =	vst v63  }
0x58: {  	_ =	swait.ge [sflag:s31], $0x1900  }
0x59: {  	[sflag:s31] =	ssyncset.done $0x0  }
.Ltmp2:
0x5a: {  	[sflag:s31] =	ssyncadd.s32 $0xFFFFE700;
	(pc) =	sbr.rel @p0 .LBB2_4-.Ltmp2, $4  }
0x5b: {  	_ =	swait.ge [sflag:s1], $0x1900  }
0x5c: {  	[sflag:s1] =	ssyncset.done $0x0  }
0x5d: {  	[sflag:s1] =	ssyncadd.s32 $0xFFFFE700  }
0x5e: {  	[hbm4b:s6+s3] =	stream.linear.scatter [tilespmem:s21], [sflag:$0xC], $0x3800, $0x38;
	[tilespmem:$0x15000] =	vst v63  }
0x5f: {  	_ =	swait.ge [sflag:s12], $0x3800  }
.Ltmp3:
0x60: {  	s18 =	sshra.s32 s16, $0x2;
	[sflag:s12] =	ssyncset.done $0x0;
	(pc) =	sbr.rel .LBB2_2-.Ltmp3, $4  }
0x61: {  	s19 =	sadd.s32 $0x310, s18;
	[sflag:s12] =	ssyncadd.s32 $0xFFFFC800  }
0x62: {  	[tilespmem:s21], [sflag:$0x4] =	stream.indirect.gather [hbm4b:s2+s8], $0x80, s19, s8, $0xb8;
	[tilespmem:$0x15000] =	vst v63  }
0x63: {  	s16 =	sadd.s32 $0x700, s16;
	s6 =	sadd.s32 $0x1C00, s6;
	s18 =	sadd.s32 $0x348, s18  }
0x64: {  	[tilespmem:s23], [sflag:$0x8] =	stream.indirect.gather [hbm4b:s2+s8], $0x80, s18, s8, $0xb8;
	[tilespmem:$0x15000] =	vst v63  }
.LBB2_5:
0x65: {  	_ =	sfence.sel $0x180000  }
0x66: {  	[bflag:$0x0] =	sbarrier.arrive $0xFFFF  }
0x67: {  	_ =	strace $0x90000047  }
0x68: {  	s0 =	stileid.u32;
	[bflag:$0x2] =	sbarrier.arrive $0xFFFF  }
0x69: {  	p0 =	sne.s32 s0, $0x0;
	s0 =	rddreg [dreg:$0x2]  }
0x6a: {  	s0 =	sadd.s32 @!p0 $0x100000, s0  }
0x6b: {  	[sflag:s0] =	ssyncadd.tile.s32 @!p0 $0x1;
	_ =	shalt  }
.Lfunc_end2:
_tile_overlayer_lowered:
.L_overlay_start_2:
0x6c: {  	(tag) =	ssettag $0x2  }
0x6d: {  	s0 =	rddreg [dreg:$0x0];
	s2 =	stileid.u32  }
0x6e: {  	s1 =	rddreg [dreg:$0x1];
	p0 =	sne.s32 s2, $0x0  }
0x6f: {  	s3 =	rddreg [dreg:$0x2];
	[bflag:$0x3] =	sbarrier.arrive $0xFFFF;
	s2 =	simm.s32 @!p0 $0x1C0D  }
0x70: {  	[timem:s3], [sflag:s2] =	dma.local @!p0 [hbm:s0], s1  }
0x71: {  	s0 =	simm.s32 @!p0 $0xD  }
0x72: {  	_ =	swait.ge @!p0 [sflag:s0], s1  }
0x73: {  	s1 =	ssub.s32 @!p0 $0x0, s1;
	[sflag:s0] =	ssyncset.done @!p0 $0x0  }
0x74: {  	[sflag:s0] =	ssyncadd.s32 @!p0 s1  }
0x75: {  	[bflag:$0x3] =	sbarrier.arrive $0xFFFF  }
0x76: {  	_ =	shalt  }

// kernel: sparse-core-data-format-call.cloned.1.call-start
scs
called_computation_lowered:
.L_overlay_start_0:
0x0: {  	s2 =	sld [smem:$0x3FD9]  }
0x1: {  	s3 =	sld [smem:$0x3FFE];
	_ =	sdelay $0x1  }
0x2: {  	s1 =	srdreg.scid  }
0x3: {  	s0 =	sand.u32 $0x1, s1  }
0x4: {  	s18 =	sshll.u32 s0, $0xA;
	s2 =	sadd.s32 s3, s2  }
0x5: {  	s2 =	sadd.s32 s2, s18  }
0x6: {  	[smem:$0x3FC6] =	sst s2  }
0x7: {  	_ = 	snop  }
0x8: {  	s2 =	sld [smem:$0x3FD0];
	(tm) =	ssettm $0x1  }
0x9: {  	s19 =	sld [smem:$0x3FFB];
	_ =	sdelay $0x3  }
0xa: {  	_ =	strace s19  }
0xb: {  	s3 =	sld [smem:$0x3FFC];
	_ =	sdelay $0x3  }
0xc: {  	_ =	strace s3  }
0xd: {  	s3 =	sld [smem:$0x3FFD];
	_ =	sdelay $0x3  }
0xe: {  	_ =	strace s3  }
0xf: {  	_ =	strace $0x8FFFFFFF  }
0x10: {  	s20 =	sld [smem:$0x3FDB];
	_ =	sdelay $0x1  }
0x11: {  	s4 =	simm.s32 $_scs_section_size  }
0x12: {  	s5 =	simm.s32 $_size__tile_overlayer_lowered;
	s6 =	simm.s32 $_tile_overlayer_lowered  }
0x13: {  	s23 =	simm.s32 $0x1BFF;
	s22 =	sshll.u32 s6, $0x1;
	s3 =	sadd.s32 s4, s20  }
0x14: {  	s7 =	simm.s32 $0x0;
	s21 =	sshll.u32 s5, $0x1;
	s5 =	sadd.s32 s22, s3  }
0x15: {  	[timem:s7], [sflag:s23] =	dma.local [hbm:s5], s21  }
0x16: {  	_ =	swait.ge [sflag:s23], s21  }
0x17: {  	s4 =	ssub.s32 $0x0, s21;
	[sflag:s23] =	ssyncset.done $0x0  }
0x18: {  	[sflag:s23] =	ssyncadd.s32 s4;
	_ =	sdelay $0x1  }
0x19: {  	s24 =	simm.s32 $0x1B8B  }
0x1a: {  	_ =	swait.ge [sflag:s24], $0x1  }
0x1b: {  	[sflag:s24] =	ssyncset.done $0x0  }
0x1c: {  	s26 =	simm.s32 $0x1B8E;
	s25 =	sld [smem:$0x3FFE];
	[sflag:s24] =	ssyncadd.s32 $0xFFFFFFFF  }
0x1d: {  	s27 =	simm.s32 $execute0_lowered;
	[smem:$0x3FD2] =	sst s26  }
0x1e: {  	s5 =	sshll.u32 s27, $0x1;
	_ =	strace $0x80000049;
	[dreg:$0x1] =	wrdreg $0xFFFFFFFF  }
0x1f: {  	s28 =	simm.s32 $_size_execute0_lowered;
	s3 =	sadd.s32 s3, s5;
	[dreg:$0x0] =	wrdreg $0x0  }
0x20: {  	s5 =	sshll.u32 s28, $0x1;
	[dreg:$0x2] =	wrdreg s3  }
0x21: {  	[dreg:$0x3] =	wrdreg s5  }
0x22: {  	[dreg:$0x4] =	wrdreg $0xC0  }
0x23: {  	_ =	task [dreg:s7], $0x5FFFF  }
0x24: {  	[dreg:$0x1] =	wrdreg $0xFFFFFFFF  }
0x25: {  	[dreg:$0x0] =	wrdreg $0x60  }
0x26: {  	[dreg:$0x2] =	wrdreg s25  }
0x27: {  	[dreg:$0x3] =	wrdreg s2  }
0x28: {  	[dreg:$0x4] =	wrdreg $0x9  }
0x29: {  	_ =	task.clear_ibuf [dreg:s7], $0x5FFFF;
	_ =	strace $0x90000049  }
0x2a: {  	s29 =	simm.s32 $0x9;
	_ =	strace $0x8000004B  }
0x2b: {  	_ =	swait.ge [sflag:s29], $0x1  }
0x2c: {  	[sflag:s29] =	ssyncadd.s32 $0xFFFFFFFF  }
0x2d: {  	_ =	strace $0x9000004B  }
0x2e: {  	_ =	sfence  }
0x2f: {  	s30 =	sld [smem:$0x0];
	_ =	sdelay $0x2  }
0x30: {  	s31 =	sshll.u32 s1, $0xD;
	s1 =	sshrl.u32 s1, $0x2  }
0x31: {  	s3 =	sand.u32 $0x4000, s31;
	s1 =	sadd.s32 s1, s30  }
0x32: {  	s0 =	sor.u32 s3, s0;
	s1 =	sshll.u32 s1, $0x11  }
0x33: {  	s0 =	sor.u32 s1, s0  }
0x34: {  	s0 =	sadd.s32 $0x8F2B, s0  }
0x35: {  	[sflag:s0] =	ssyncadd.remote.s32 $0x1  }
0x36: {  	_ =	sfence.sel $0xFFFF  }
0x37: {  	[dreg:$0x0] =	wrdreg $0xFFFFFFFF;
	(pc) =	sbr.abs _section_cstart, $3  }
0x38: {  	[dreg:$0x1] =	wrdreg $0xFFFFFFFF  }
0x39: {  	_ =	task.clear_ibuf [dreg:s7], $0x2FFFF;
	_ =	strace $0x9FFFFFFF  }
0x3a: {  	(tm) =	ssettm $0x7FFFFFFF  }
0x3b: {  	_ =	shalt  }
tec
execute0_lowered:
.L_overlay_start_1:
0x0: {  	(tag) =	ssettag $0x1  }
0x1: {  	s0 =	srdreg.scid  }
0x2: {  	s1 =	sshll.u32 s0, $0x4  }
0x3: {  	s6 =	rddreg [dreg:$0x0];
	s0 =	stileid.u32;
	s1 =	sand.u32 $0x10, s1  }
0x4: {  	s3 =	rddreg [dreg:$0x1];
	s1 =	sor.u32 s0, s1  }
0x5: {  	s5 =	simm.s32 $0x1;
	s31 =	simm.s32 $0x2;
	s2 =	sshll.u32 s1, $0x7  }
0x6: {  	s15 =	simm.s32 $0x0;
	s8 =	simm.s32 $0x20000;
	s4 =	ssub.s32 $0x4000, s2  }
0x7: {  	s14 =	simm.s32 $0x0;
	s9 =	simm.s32 $0x0;
	s30 =	sand.u32 $0xF80, s4  }
0x8: {  	s10 =	simm.s32 $0x0;
	s11 =	simm.s32 $0x0;
	p0 =	sne.s32 s30, $0x0  }
.Ltmp0:
0x9: {  	s7 =	sshrl.u32 s4, $0xC;
	s5 =	simm.s32 @!p0 $0x0;
	(pc) =	sbr.rel .LBB1_1-.Ltmp0, $4  }
0xa: {  	s13 =	simm.s32 $0x0;
	s1 =	rddreg [dreg:$0x2];
	s5 =	sadd.s32 s5, s7  }
0xb: {  	_ =	strace $0x8000004A;
	s4 =	simm.s32 $0x1;
	s5 =	smul.u32 $0x32, s5  }
0xc: {  	s6 =	sadd.s32 $0x1CA00, s6;
	s12 =	smov.u32 s2;
	[sflag:s4] =	ssyncpa.u1 $0x0  }
0xd: {  	[sflag:s31] =	ssyncpa.u1 $0x0;
	p0 =	por $0x0, $0x0;
	s7 =	sor.u32 $0x1, s5  }
.LBB1_4:
0xe: {  	s20 =	sshra.s32 s20, $0x2;
	s28 =	sshll.u32 s10, $0x3;
	p1 =	sgt.s32 s9, $0x31  }
0xf: {  	s21 =	smov.u32 s9;
	s23 =	sshra.s32 s9, $0x1F;
	s24 =	smov.u32 s10  }
0x10: {  	v5 =	vld [tilespmem:s17+$0xFFFFFFD0];
	[tilespmem:s18+$0x2040 ss:$0x81] =	vst.msk $0xffff, v4;
	s25 =	sshra.s32 s10, $0x1F;
	s26 =	sand.u32 $0x78, s10;
	s19 =	sadd.s32 s20, s19  }
0x11: {  	v58 =	vld [tilespmem:s17+$0xFFFFFFE0];
	[tilespmem:s18+$0x2850 ss:$0x81] =	vst.msk $0xffff, v3;
	s22 =	sshrl.u32 s28, $0xE;
	s21 =	simm.s32 @!p1 $0x31;
	s23 =	sand.u32 s23, s9  }
0x12: {  	v59 =	vld [tilespmem:s17+$0xFFFFFFF0];
	[tilespmem:s18+$0x3060 ss:$0x81] =	vst.msk $0xffff, v2;
	p1 =	sgt.s32 s10, $0x3F80;
	s29 =	sand.u32 s25, s10;
	s20 =	sand.u32 $0x3C00, s28  }
0x13: {  	v60 =	vld [tilespmem:s17+$0x0];
	[tilespmem:s18+$0x0 ss:$0x81] =	vst.msk $0xffff, v0;
	s28 =	smul.u32 $0x34000, s9;
	s21 =	ssub.s32 s21, s23;
	s24 =	simm.s32 @!p1 $0x3F80  }
0x14: {  	v61 =	vld [tilespmem:s17+$0x10];
	s30 =	smulhi.u32 $0x2762763, s22;
	[tilespmem:s19+$0x3870 ss:$0x81] =	vst.msk $0xffff, v1;
	s20 =	sor.u32 s26, s20;
	s31 =	ssub.s32 $0x32, s21  }
0x15: {  	v62 =	vld [tilespmem:s17+$0x20];
	s23 =	ssub.s32 s24, s29;
	s21 =	sadd.s32 $0xFFFFFFCF, s21;
	s25 =	smul.u32 $0x68, s31;
	[tilespmem:s19+$0x810 ss:$0x81] =	vst.msk $0xffff, v5  }
0x16: {  	v63 =	vld [tilespmem:s17+$0xFFFFFFC0];
	s18 =	smul.u32 $0x68, s30;
	p1 =	sgt.s32 s21, $0x0;
	s27 =	sadd.s32 $0xFFFFC080, s23;
	[tilespmem:s19+$0x1020 ss:$0x81] =	vst.msk $0xffff, v58  }
0x17: {  	s17 =	ssub.s32 $0x4000, s23;
	[tilespmem:s19+$0x1830 ss:$0x81] =	vst.msk $0xffff, v59;
	s25 =	simm.s32 @p1 $0x0;
	p1 =	sgt.s32 s27, $0x7F  }
0x18: {  	s29 =	sand.u32 $0x7, s10;
	[tilespmem:s19+$0x2040 ss:$0x81] =	vst.msk $0xffff, v60;
	s18 =	ssub.s32 s22, s18;
	s17 =	simm.s32 @p1 $0x0  }
0x19: {  	s21 =	sadd.s32 s3, s28;
	[tilespmem:s19+$0x2850 ss:$0x81] =	vst.msk $0xffff, v61;
	s18 =	sshll.u32 s18, $0xB;
	s17 =	smul.u32 s17, s25  }
0x1a: {  	s20 =	sshrl.u32 s20, $0x3;
	s30 =	sshll.u32 s29, $0x12;
	[tilespmem:s19+$0x3060 ss:$0x81] =	vst.msk $0xffff, v62;
	s18 =	sadd.s32 s18, s21  }
0x1b: {  	[tilespmem:s19+$0x0 ss:$0x81] =	vst.msk $0xffff, v63;
	s31 =	sor.u32 $0x400, s30;
	s18 =	sadd.s32 s20, s18;
	s17 =	sand.u32 $0x3FFFFFF8, s17  }
0x1c: {  	[hbm4b:s18+s31] =	stream.strided.scatter [tilespmem:s16], [sflag:$0x2], s17, s8, s31, $0x20;
	[tilespmem:$0x10100] =	vst v63  }
.LBB1_5:
0x1d: {  	p1 =	slt.u32 s13, $0x2  }
0x1e: {  	s17 =	smov.u32 s15;
	p2 =	sgt.s32 @!p1 s15, $0x31;
	s16 =	sshra.s32 @!p1 s15, $0x1F  }
0x1f: {  	p3 =	sgt.s32 @!p1 s14, $0x3F80;
	s18 =	sshra.s32 @!p1 s14, $0x1F;
	p2 =	por !p2, p1  }
0x20: {  	s15 =	sand.u32 @!p1 s16, s15;
	p3 =	por !p3, p1;
	s16 =	smov.u32 s14  }
0x21: {  	s14 =	sand.u32 @!p1 s18, s14;
	s17 =	simm.s32 @p2 $0x31;
	s16 =	simm.s32 @p3 $0x3F80  }
0x22: {  	s18 =	smov.u32 s12;
	s15 =	ssub.s32 @!p1 s17, s15;
	s14 =	ssub.s32 @!p1 s16, s14  }
0x23: {  	s16 =	sadd.s32 @!p1 $0xFFFFFFCF, s15;
	s15 =	ssub.s32 @!p1 $0x32, s15;
	s17 =	sadd.s32 @!p1 $0xFFFFC080, s14  }
0x24: {  	p2 =	sgt.s32 @!p1 s16, $0x0;
	s15 =	smul.u32 @!p1 $0x68, s15;
	p3 =	sgt.s32 @!p1 s17, $0x7F  }
0x25: {  	s14 =	ssub.s32 @!p1 $0x4000, s14;
	p2 =	por !p2, p1;
	p3 =	por !p3, p1  }
0x26: {  	s16 =	sadd.s32 $0x1, s11;
	s15 =	simm.s32 @!p2 $0x0;
	s14 =	simm.s32 @!p3 $0x0  }
0x27: {  	p2 =	sgt.s32 s16, $0x31;
	s14 =	smul.u32 @!p1 s14, s15;
	s15 =	sadd.s32 $0x1000, s12  }
0x28: {  	s18 =	smov.u32 @p2 s15  }
0x29: {  	s16 =	simm.s32 @p2 $0x0;
	p2 =	sgt.s32 s18, $0x3FFF  }
0x2a: {  	s18 =	smov.u32 @p2 s2;
	p2 =	sne.s32 s13, s7  }
.Ltmp1:
0x2b: {  	p0 =	por !p0, !p0;
	s17 =	simm.s32 @!p1 $0x2;
	(pc) =	sbr.rel @!p2 .LBB1_6-.Ltmp1, $4  }
0x2c: {  	s15 =	smov.u32 s9;
	s9 =	smov.u32 s11;
	s14 =	sand.u32 @!p1 $0x3FFFFFF8, s14  }
0x2d: {  	s11 =	smov.u32 s16;
	_ =	swait.ge @!p1 [sflag:s17], s14;
	s19 =	ssub.s32 @!p1 $0x0, s14  }
0x2e: {  	s14 =	smov.u32 s10;
	s13 =	sadd.s32 $0x1, s13;
	[sflag:s17] =	ssyncset.done @!p1 $0x0  }
0x2f: {  	s10 =	smov.u32 s12;
	s12 =	smov.u32 s18;
	[sflag:s17] =	ssyncadd.s32 @!p1 s19  }
.LBB1_1:
0x30: {  	p1 =	sge.u32 s13, s5  }
0x31: {  	s16 =	sand.u32 @!p1 $0x1FFFFFF, s11  }
0x32: {  	s17 =	smulhi.u32 @!p1 $0x4924925, s16;
	_ =	sdelay $0x1  }
0x33: {  	s17 =	smul.u32 @!p1 $0x38, s17  }
0x34: {  	s18 =	sxor.u32 @!p1 $0xFFFFFFFF, s13;
	s19 =	smul.u32 @!p1 $0x380, s12  }
0x35: {  	s31 =	sadd.s32 $0xFFFFFFFF, s13;
	s18 =	sshll.u32 @!p1 s18, $0xE;
	s16 =	ssub.s32 @!p1 s16, s17  }
0x36: {  	s17 =	sand.u32 @!p1 $0x4000, s18;
	s18 =	sadd.s32 @!p1 s6, s19;
	s16 =	sshll.u32 @!p1 s16, $0x4  }
0x37: {  	s19 =	simm.s32 @!p1 $0x1C00;
	s16 =	sadd.s32 @!p1 s16, s18;
	s18 =	simm.s32 @!p1 $0x80  }
0x38: {  	[tilespmem:s17], [sflag:$0x1] =	stream.strided.gather @!p1 [hbm4b:s16+s18], $0x4000, s19, s18, $0x38;
	[tilespmem:$0x10100] =	vst v63  }
0x39: {  	p1 =	sge.u32 s31, s5  }
.Ltmp2:
0x3a: {  	_ = 	snop;
	(pc) =	sbr.rel @p1 .LBB1_5-.Ltmp2, $1  }
0x3b: {  	_ =	sdelay $0x3  }
0x3c: {  	s16 =	simm.s32 $0x1  }
0x3d: {  	_ =	swait.ge [sflag:s4], $0x4000;
	s16 =	simm.s32 @!p0 $0x0  }
0x3e: {  	[sflag:s4] =	ssyncset.done $0x0;
	s17 =	sshll.u32 s16, $0xE  }
0x3f: {  	[sflag:s4] =	ssyncadd.s32 $0xFFFFC000;
	s17 =	sor.u32 $0x40, s17  }
0x40: {  	s16 =	smul.u32 $0x10200, s16;
	v0 =	vld [tilespmem:s17+$0x30]  }
0x41: {  	v1 =	vld [tilespmem:s17+$0xFFFFFFD0]  }
0x42: {  	s16 =	sshrl.u32 s16, $0x2;
	v5 =	vld [tilespmem:s17+$0xFFFFFFE0]  }
0x43: {  	v6 =	vld [tilespmem:s17+$0xFFFFFFF0];
	s19 =	sor.u32 $0x8000, s16  }
0x44: {  	s31 =	sand.u32 $0x1, s13;
	v4 =	vld [tilespmem:s17+$0x0];
	s18 =	sadd.s32 $0x0, s19  }
0x45: {  	v3 =	vld [tilespmem:s17+$0x10];
	s16 =	smul.u32 $0x10200, s31;
	[tilespmem:s18+$0x3870 ss:$0x81] =	vst.msk $0xffff, v0  }
0x46: {  	v2 =	vld [tilespmem:s17+$0x20];
	[tilespmem:s18+$0x810 ss:$0x81] =	vst.msk $0xffff, v1  }
0x47: {  	s16 =	sshrl.u32 s16, $0x2;
	v0 =	vld [tilespmem:s17+$0xFFFFFFC0];
	[tilespmem:s18+$0x1020 ss:$0x81] =	vst.msk $0xffff, v5;
	s17 =	sadd.s32 $0x80, s17  }
0x48: {  	s20 =	simm.s32 $0x4;
	s21 =	simm.s32 $0x8;
	s16 =	sor.u32 $0x8000, s16;
	[tilespmem:s18+$0x1830 ss:$0x81] =	vst.msk $0xffff, v6;
	v1 =	vld [tilespmem:s17+$0x30]  }
.LBB1_3:
0x49: {  	p1 =	sne.s32 s21, $0x1FC;
	v5 =	vld [tilespmem:s17+$0xFFFFFFD0];
	[tilespmem:s18+$0x2040 ss:$0x81] =	vst.msk $0xffff, v4  }
0x4a: {  	v6 =	vld [tilespmem:s17+$0xFFFFFFE0];
	[tilespmem:s18+$0x2850 ss:$0x81] =	vst.msk $0xffff, v3  }
0x4b: {  	s22 =	sshra.s32 s20, $0x2;
	s20 =	smov.u32 s21;
	v7 =	vld [tilespmem:s17+$0xFFFFFFF0];
	[tilespmem:s18+$0x3060 ss:$0x81] =	vst.msk $0xffff, v2  }
.Ltmp3:
0x4c: {  	v4 =	vld [tilespmem:s17+$0x0];
	[tilespmem:s18+$0x0 ss:$0x81] =	vst.msk $0xffff, v0;
	s18 =	sadd.s32 s22, s19;
	(pc) =	sbr.rel @p1 .LBB1_3-.Ltmp3, $4  }
0x4d: {  	v3 =	vld [tilespmem:s17+$0x10];
	[tilespmem:s18+$0x3870 ss:$0x81] =	vst.msk $0xffff, v1  }
0x4e: {  	[tilespmem:s18+$0x810 ss:$0x81] =	vst.msk $0xffff, v5;
	v2 =	vld [tilespmem:s17+$0x20]  }
0x4f: {  	v0 =	vld [tilespmem:s17+$0xFFFFFFC0];
	[tilespmem:s18+$0x1020 ss:$0x81] =	vst.msk $0xffff, v6;
	s17 =	sadd.s32 $0x80, s17  }
0x50: {  	s21 =	sadd.s32 $0x4, s21;
	v1 =	vld [tilespmem:s17+$0x30];
	[tilespmem:s18+$0x1830 ss:$0x81] =	vst.msk $0xffff, v7  }
.Ltmp4:
0x51: {  	_ = 	snop;
	(pc) =	sbr.rel .LBB1_4-.Ltmp4, $1  }
0x52: {  	_ =	sdelay $0x3  }
.LBB1_6:
0x53: {  	_ =	sfence.sel $0x180000  }
0x54: {  	s2 =	simm.s32 $0x1;
	[bflag:$0x0] =	sbarrier.arrive $0xFFFF  }
0x55: {  	s31 =	simm.s32 $0x2;
	[sflag:s2] =	ssyncpa.u1 $0x1  }
0x56: {  	[sflag:s31] =	ssyncpa.u1 $0x1  }
0x57: {  	p0 =	sne.s32 s0, $0x0;
	_ =	strace $0x9000004A  }
0x58: {  	s0 =	sadd.s32 @!p0 $0x100000, s1;
	[bflag:$0x2] =	sbarrier.arrive $0xFFFF  }
0x59: {  	[sflag:s0] =	ssyncadd.tile.s32 @!p0 $0x1;
	_ =	shalt  }
.Lfunc_end1:
_tile_overlayer_lowered:
.L_overlay_start_2:
0x5a: {  	(tag) =	ssettag $0x2  }
0x5b: {  	s0 =	rddreg [dreg:$0x0];
	s2 =	stileid.u32  }
0x5c: {  	s1 =	rddreg [dreg:$0x1];
	p0 =	sne.s32 s2, $0x0  }
0x5d: {  	s3 =	rddreg [dreg:$0x2];
	[bflag:$0x3] =	sbarrier.arrive $0xFFFF;
	s2 =	simm.s32 @!p0 $0x1C01  }
0x5e: {  	[timem:s3], [sflag:s2] =	dma.local @!p0 [hbm:s0], s1  }
0x5f: {  	s0 =	simm.s32 @!p0 $0x1  }
0x60: {  	_ =	swait.ge @!p0 [sflag:s0], s1  }
0x61: {  	s1 =	ssub.s32 @!p0 $0x0, s1;
	[sflag:s0] =	ssyncset.done @!p0 $0x0  }
0x62: {  	[sflag:s0] =	ssyncadd.s32 @!p0 s1  }
0x63: {  	[bflag:$0x3] =	sbarrier.arrive $0xFFFF  }
0x64: {  	_ =	shalt  }

</sc_bundles>
